<compile_context>
chip_gen: v7x
topology: tpu7x:2x2x1
jax: 0.10.2.dev20260603
libtpu: 0.0.44.dev20260713+nightly
codegen_flags: <defaults>
</compile_context>

<pallas_src>
import functools

import jax
import jax.numpy as jnp
from jax import lax
from jax.experimental import pallas as pl
from jax.experimental.pallas import tpu as pltpu
from jax.experimental.pallas import tpu_sc as plsc

N = 10000
D = 128
E = 320000
EPS_GIN = 128.0
BN_EPS = 1e-5

NC = 2
NS = 16
NH = 5120
NPAD = NC * NH
DUMP = NH
CH = 128
EPW = E // NS
SCH = 32
NCHUNK = 160
NSTRIP = NCHUNK // SCH
EPWP = NCHUNK * CH
CLEN = EPWP + 2 * CH
APAD = 5376
ZPT = APAD // NS
VPR = CH // 16
NBUF = 4
CHK = 64


def _agg_body(x_hbm, src_hbm, dst_hbm, out_hbm, sid_s, sid_d, csrc, cdst,
              rows_0, rows_1, rows_2, rows_3, dstg, accum,
              sem_0, sem_1, sem_2, sem_3):
    c = lax.axis_index("c")
    s = lax.axis_index("s")

    lo = c * NH
    ones = jnp.full((16,), 1, jnp.int32)
    zeros = jnp.zeros((16,), jnp.int32)

    def strip(t, cnt):
        pltpu.sync_copy(src_hbm.at[s].at[pl.ds(t * SCH, SCH)], sid_s)
        pltpu.sync_copy(dst_hbm.at[s].at[pl.ds(t * SCH, SCH)], sid_d)

        def comp(i, cnt):
            for u in range(2):
                m = 2 * i + u
                r = m // VPR
                o = (m % VPR) * 16
                vd = sid_d[r, pl.ds(o, 16)] - lo
                ok = (vd >= 0) & (vd < NH)
                plsc.store_compressed(cdst.at[pl.ds(cnt, 16)], vd, mask=ok)
                plsc.store_compressed(csrc.at[pl.ds(cnt, 16)],
                                      sid_s[r, pl.ds(o, 16)], mask=ok)
                pc = plsc.all_reduce_population_count(ok)
                cnt = cnt + pc[0]
            return cnt

        return lax.fori_loop(0, SCH * VPR // 2, comp, cnt)

    cnt = lax.fori_loop(0, NSTRIP, strip, 0)

    for k in range(2 * VPR):
        cdst[pl.ds(cnt + k * 16, 16)] = jnp.full((16,), DUMP, jnp.int32)
        csrc[pl.ds(cnt + k * 16, 16)] = jnp.zeros((16,), jnp.int32)

    def zrow(i, _):
        rows_0[i // VPR, pl.ds((i % VPR) * 16, 16)] = jnp.zeros((16,),
                                                                jnp.float32)
        return 0

    lax.fori_loop(0, CHK * VPR, zrow, 0)
    for z in range(ZPT // CHK):
        pltpu.sync_copy(rows_0, accum.at[pl.ds(s * ZPT + z * CHK, CHK)])
    pltpu.sync_copy(rows_0.at[pl.ds(0, ZPT % CHK)],
                    accum.at[pl.ds(s * ZPT + (ZPT // CHK) * CHK, ZPT % CHK)])
    plsc.subcore_barrier()

    ngrp = (cnt + NBUF * CHK - 1) // (NBUF * CHK)
    bufs = (rows_0, rows_1, rows_2, rows_3)
    sems = (sem_0, sem_1, sem_2, sem_3)

    def gather_start(j, rows, sem):
        pltpu.async_copy(x_hbm.at[csrc.at[pl.ds(j * CHK, CHK)]], rows, sem)

    def gather_wait(j, rows, sem):
        pltpu.make_async_copy(x_hbm.at[csrc.at[pl.ds(j * CHK, CHK)]],
                              rows, sem).wait()

    def stage_dst(j):
        for k in range(CHK // 16):
            dstg[pl.ds(k * 16, 16)] = cdst[pl.ds(j * CHK + k * 16, 16)]

    @pl.when(ngrp > 0)
    def _():
        for b in range(NBUF):
            gather_start(b, bufs[b], sems[b])

    def group(q, _):
        j0 = NBUF * q
        for b in range(NBUF):
            j = j0 + b
            gather_wait(j, bufs[b], sems[b])
            stage_dst(j)
            pltpu.sync_copy(bufs[b], accum.at[dstg], add=True)

            @pl.when(j + NBUF < NBUF * ngrp)
            def _():
                gather_start(j + NBUF, bufs[b], sems[b])

        return 0

    lax.fori_loop(0, ngrp, group, 0)
    plsc.subcore_barrier()

    rpt = NH // NS
    pltpu.sync_copy(accum.at[pl.ds(s * rpt, rpt)],
                    out_hbm.at[pl.ds(c * NH + s * rpt, rpt)])


_agg_call = functools.partial(
    pl.kernel,
    out_type=jax.ShapeDtypeStruct((NPAD, D), jnp.float32),
    mesh=plsc.VectorSubcoreMesh(core_axis_name="c", subcore_axis_name="s"),
    scratch_types=[
        pltpu.VMEM((SCH, CH), jnp.int32),
        pltpu.VMEM((SCH, CH), jnp.int32),
        pltpu.VMEM((CLEN,), jnp.int32),
        pltpu.VMEM((CLEN,), jnp.int32),
        pltpu.VMEM((CHK, D), jnp.float32),
        pltpu.VMEM((CHK, D), jnp.float32),
        pltpu.VMEM((CHK, D), jnp.float32),
        pltpu.VMEM((CHK, D), jnp.float32),
        pltpu.VMEM((CHK,), jnp.int32),
        pltpu.VMEM_SHARED((APAD, D), jnp.float32),
        pltpu.SemaphoreType.DMA,
        pltpu.SemaphoreType.DMA,
        pltpu.SemaphoreType.DMA,
        pltpu.SemaphoreType.DMA,
    ],
    compiler_params=pltpu.CompilerParams(needs_layout_passes=False),
)(_agg_body)


def _mlp_body(x_ref, agg_ref, w1_ref, b1_ref, g1_ref, t1_ref, w2_ref, b2_ref,
              g2_ref, t2_ref, o_ref):
    h = x_ref[...] * (1.0 + EPS_GIN) + agg_ref[pl.ds(0, N), :]
    h = lax.dot_general(h, w1_ref[...], (((1,), (1,)), ((), ())),
                        preferred_element_type=jnp.float32) + b1_ref[...]
    h = jnp.maximum(h, 0.0)
    m = jnp.mean(h, axis=0, keepdims=True)
    v = jnp.mean((h - m) * (h - m), axis=0, keepdims=True)
    h = (h - m) * lax.rsqrt(v + BN_EPS) * g1_ref[...] + t1_ref[...]
    h = lax.dot_general(h, w2_ref[...], (((1,), (1,)), ((), ())),
                        preferred_element_type=jnp.float32) + b2_ref[...]
    h = jnp.maximum(h, 0.0)
    m = jnp.mean(h, axis=0, keepdims=True)
    v = jnp.mean((h - m) * (h - m), axis=0, keepdims=True)
    o_ref[...] = (h - m) * lax.rsqrt(v + BN_EPS) * g2_ref[...] + t2_ref[...]


_mlp_call = pl.pallas_call(
    _mlp_body,
    out_shape=jax.ShapeDtypeStruct((N, D), jnp.float32),
)


def kernel(x, edge_index, W1, b1, g1, beta1, W2, b2, g2, beta2):
    ei = edge_index.astype(jnp.int32).reshape(2, NS, EPW)
    pad = ((0, 0), (0, 0), (0, EPWP - EPW))
    ei = jnp.pad(ei, pad, constant_values=-1)
    src = jnp.maximum(ei[0], 0).reshape(NS, NCHUNK, CH)
    dst = ei[1].reshape(NS, NCHUNK, CH)
    agg = _agg_call(x, src, dst)
    return _mlp_call(x, agg, W1, b1.reshape(1, D), g1.reshape(1, D),
                     beta1.reshape(1, D), W2, b2.reshape(1, D),
                     g2.reshape(1, D), beta2.reshape(1, D))

# --- scband reference (transcript-rebuilt; emitter-appended) ---
"""Pipeline reference for scband-ginblock-18184891531553 (READ-ONLY COPY).

The authoritative reference and input builder live on the scoring server;
editing this copy changes nothing except your own understanding.
"""

import jax, jax.numpy as jnp
import numpy as np

N = 10000
D = 128
E = 320000
EPS_GIN = 128.0  # GINConv(nn, in_channels) passes in_channels=128 as eps positionally
BN_EPS = 1e-5


def setup_inputs(seed: int = 0) -> dict:
    key = jax.random.key(seed)
    ks = jax.random.split(key, 8)
    x = jax.random.normal(ks[0], (N, D), dtype=jnp.float32)
    edge_index = jax.random.randint(ks[1], (2, E), 0, N, dtype=jnp.int64)
    W1 = jax.random.normal(ks[2], (D, D), dtype=jnp.float32) * 0.05
    b1 = jax.random.normal(ks[3], (D,), dtype=jnp.float32) * 0.05
    g1 = jnp.ones((D,), dtype=jnp.float32)
    beta1 = jnp.zeros((D,), dtype=jnp.float32)
    W2 = jax.random.normal(ks[4], (D, D), dtype=jnp.float32) * 0.05
    b2 = jax.random.normal(ks[5], (D,), dtype=jnp.float32) * 0.05
    g2 = jnp.ones((D,), dtype=jnp.float32)
    beta2 = jnp.zeros((D,), dtype=jnp.float32)
    return {"x": x, "edge_index": edge_index, "W1": W1, "b1": b1, "g1": g1, "beta1": beta1, "W2": W2, "b2": b2, "g2": g2, "beta2": beta2}


def _batchnorm_train(h, gamma, beta):
    mean = jnp.mean(h, axis=0, keepdims=True)
    var = jnp.mean((h - mean) ** 2, axis=0, keepdims=True)  # biased, as torch uses for normalization
    return (h - mean) / jnp.sqrt(var + BN_EPS) * gamma + beta


def reference(x, edge_index, W1, b1, g1, beta1, W2, b2, g2, beta2):
    src = edge_index[0]
    dst = edge_index[1]
    # GIN aggregation: sum of neighbor features at destination nodes
    agg = jnp.zeros_like(x).at[dst].add(x[src])
    h = (1.0 + EPS_GIN) * x + agg
    # nn: Linear -> ReLU -> BatchNorm1d -> Linear -> ReLU -> BatchNorm1d
    h = h @ W1.T + b1
    h = jax.nn.relu(h)
    h = _batchnorm_train(h, g1, beta1)
    h = h @ W2.T + b2
    h = jax.nn.relu(h)
    h = _batchnorm_train(h, g2, beta2)
    return h

if __name__ == "__main__":
    import jax
    _d = setup_inputs()
    print(jax.jit(kernel)(*tuple(_d.values())))

</pallas_src>

<mosaic_0001>
#map = affine_map<(d0, d1) -> (0, 0)>
#map1 = affine_map<(d0, d1) -> (0, 0, 0)>
module attributes {stable_mosaic.version = 14 : i64} {
  func.func @_agg_body(%arg0: i32, %arg1: i32, %arg2: memref<10000x128xf32, #tpu.memory_space<hbm>>, %arg3: memref<16x160x128xi32, #tpu.memory_space<hbm>>, %arg4: memref<16x160x128xi32, #tpu.memory_space<hbm>>, %arg5: memref<10240x128xf32, #tpu.memory_space<hbm>>, %arg6: memref<32x128xi32, #tpu.memory_space<vmem>>, %arg7: memref<32x128xi32, #tpu.memory_space<vmem>>, %arg8: memref<20736xi32, #tpu.memory_space<vmem>>, %arg9: memref<20736xi32, #tpu.memory_space<vmem>>, %arg10: memref<64x128xf32, #tpu.memory_space<vmem>>, %arg11: memref<64x128xf32, #tpu.memory_space<vmem>>, %arg12: memref<64x128xf32, #tpu.memory_space<vmem>>, %arg13: memref<64x128xf32, #tpu.memory_space<vmem>>, %arg14: memref<64xi32, #tpu.memory_space<vmem>>, %arg15: memref<5376x128xf32, #tpu.memory_space<vmem_shared>>, %arg16: memref<!tpu.dma_semaphore, #tpu.memory_space<semaphore_mem>>, %arg17: memref<!tpu.dma_semaphore, #tpu.memory_space<semaphore_mem>>, %arg18: memref<!tpu.dma_semaphore, #tpu.memory_space<semaphore_mem>>, %arg19: memref<!tpu.dma_semaphore, #tpu.memory_space<semaphore_mem>>) attributes {dimension_semantics = [#tpu.dimension_semantics<core_parallel>, #tpu.dimension_semantics<subcore_parallel>], iteration_bounds = array<i64: 2, 16>, scalar_prefetch = 0 : i64, scratch_operands = 14 : i64, tpu.core_type = #tpu.core_type<sc_vector_subcore>, window_params = [{transform_indices = #map}, {transform_indices = #map1}, {transform_indices = #map1}, {transform_indices = #map}]} {
    %mul3A = arith.constant 5120 : i32
    %mul3A_0 = arith.muli %arg0, %mul3A : i32
    %broadcast_in_dim3A = arith.constant 1 : i32
    %broadcast_in_dim3A_1 = vector.broadcast %broadcast_in_dim3A : i32 to vector<16xi32>
    %broadcast_in_dim3A_2 = arith.constant 0 : i32
    %broadcast_in_dim3A_3 = vector.broadcast %broadcast_in_dim3A_2 : i32 to vector<16xi32>
    %scan3A = arith.constant 0 : i32
    %scan3A_4 = arith.constant 0 : i32
    %scan3A_5 = arith.constant 5 : i32
    %scan3A_6 = arith.addi %scan3A_4, %scan3A_5 : i32
    %scan3A_7 = arith.constant 1 : i32
    %scan3A_8 = scf.for %scan3A_272 = %scan3A_4 to %scan3A_6 step %scan3A_7 iter_args(%scan3A_273 = %scan3A) -> (i32)  : i32 {
      %mul3A_274 = arith.constant 32 : i32
      %mul3A_275 = arith.muli %scan3A_272, %mul3A_274 : i32
      "tpu.region"() ({
        %run_scoped3A = tpu.sem_alloc : memref<!tpu.dma_semaphore, #tpu.memory_space<semaphore_mem>>
        %dma_start3A = arith.constant 0 : i32
        %dma_start3A_284 = arith.constant 0 : i32
        %dma_start3A_285 = tpu.memref_slice %arg3[%arg1, %dma_start3A, %dma_start3A_284] : memref<16x160x128xi32, #tpu.memory_space<hbm>> -> memref<1x160x128xi32, #tpu.memory_space<hbm>>
        %dma_start3A_286 = tpu.memref_squeeze %dma_start3A_285 : memref<1x160x128xi32, #tpu.memory_space<hbm>> -> memref<160x128xi32, #tpu.memory_space<hbm>>
        %dma_start3A_287 = arith.constant 0 : i32
        %dma_start3A_288 = tpu.memref_slice %dma_start3A_286[%mul3A_275, %dma_start3A_287] : memref<160x128xi32, #tpu.memory_space<hbm>> -> memref<32x128xi32, #tpu.memory_space<hbm>>
        %dma_start3A_289 = arith.constant 0 : i32
        %dma_start3A_290 = arith.constant 0 : i32
        %dma_start3A_291 = tpu.memref_slice %arg3[%arg1, %dma_start3A_289, %dma_start3A_290] : memref<16x160x128xi32, #tpu.memory_space<hbm>> -> memref<1x160x128xi32, #tpu.memory_space<hbm>>
        %dma_start3A_292 = tpu.memref_squeeze %dma_start3A_291 : memref<1x160x128xi32, #tpu.memory_space<hbm>> -> memref<160x128xi32, #tpu.memory_space<hbm>>
        %dma_start3A_293 = arith.constant 0 : i32
        %dma_start3A_294 = tpu.memref_slice %dma_start3A_292[%mul3A_275, %dma_start3A_293] : memref<160x128xi32, #tpu.memory_space<hbm>> -> memref<32x128xi32, #tpu.memory_space<hbm>>
        tpu.enqueue_dma source(%dma_start3A_294 : memref<32x128xi32, #tpu.memory_space<hbm>>) target(%arg6 : memref<32x128xi32, #tpu.memory_space<vmem>>) target_semaphore(%run_scoped3A : memref<!tpu.dma_semaphore, #tpu.memory_space<semaphore_mem>>)
        %dma_wait3A = arith.constant 0 : i32
        %dma_wait3A_295 = arith.constant 0 : i32
        %dma_wait3A_296 = tpu.memref_slice %arg3[%arg1, %dma_wait3A, %dma_wait3A_295] : memref<16x160x128xi32, #tpu.memory_space<hbm>> -> memref<1x160x128xi32, #tpu.memory_space<hbm>>
        %dma_wait3A_297 = tpu.memref_squeeze %dma_wait3A_296 : memref<1x160x128xi32, #tpu.memory_space<hbm>> -> memref<160x128xi32, #tpu.memory_space<hbm>>
        %dma_wait3A_298 = arith.constant 0 : i32
        %dma_wait3A_299 = tpu.memref_slice %dma_wait3A_297[%mul3A_275, %dma_wait3A_298] : memref<160x128xi32, #tpu.memory_space<hbm>> -> memref<32x128xi32, #tpu.memory_space<hbm>>
        %dma_wait3A_300 = arith.constant 0 : i32
        %dma_wait3A_301 = arith.constant 0 : i32
        %dma_wait3A_302 = tpu.memref_slice %arg3[%arg1, %dma_wait3A_300, %dma_wait3A_301] : memref<16x160x128xi32, #tpu.memory_space<hbm>> -> memref<1x160x128xi32, #tpu.memory_space<hbm>>
        %dma_wait3A_303 = tpu.memref_squeeze %dma_wait3A_302 : memref<1x160x128xi32, #tpu.memory_space<hbm>> -> memref<160x128xi32, #tpu.memory_space<hbm>>
        %dma_wait3A_304 = arith.constant 0 : i32
        %dma_wait3A_305 = tpu.memref_slice %dma_wait3A_303[%mul3A_275, %dma_wait3A_304] : memref<160x128xi32, #tpu.memory_space<hbm>> -> memref<32x128xi32, #tpu.memory_space<hbm>>
        tpu.wait_dma2 semaphore(%run_scoped3A : memref<!tpu.dma_semaphore, #tpu.memory_space<semaphore_mem>>) src(%dma_wait3A_305 : memref<32x128xi32, #tpu.memory_space<hbm>>) dst(%arg6 : memref<32x128xi32, #tpu.memory_space<vmem>>)
        tpu.yield
      }) : () -> ()
      %mul3A_276 = arith.constant 32 : i32
      %mul3A_277 = arith.muli %scan3A_272, %mul3A_276 : i32
      "tpu.region"() ({
        %run_scoped3A = tpu.sem_alloc : memref<!tpu.dma_semaphore, #tpu.memory_space<semaphore_mem>>
        %dma_start3A = arith.constant 0 : i32
        %dma_start3A_284 = arith.constant 0 : i32
        %dma_start3A_285 = tpu.memref_slice %arg4[%arg1, %dma_start3A, %dma_start3A_284] : memref<16x160x128xi32, #tpu.memory_space<hbm>> -> memref<1x160x128xi32, #tpu.memory_space<hbm>>
        %dma_start3A_286 = tpu.memref_squeeze %dma_start3A_285 : memref<1x160x128xi32, #tpu.memory_space<hbm>> -> memref<160x128xi32, #tpu.memory_space<hbm>>
        %dma_start3A_287 = arith.constant 0 : i32
        %dma_start3A_288 = tpu.memref_slice %dma_start3A_286[%mul3A_277, %dma_start3A_287] : memref<160x128xi32, #tpu.memory_space<hbm>> -> memref<32x128xi32, #tpu.memory_space<hbm>>
        %dma_start3A_289 = arith.constant 0 : i32
        %dma_start3A_290 = arith.constant 0 : i32
        %dma_start3A_291 = tpu.memref_slice %arg4[%arg1, %dma_start3A_289, %dma_start3A_290] : memref<16x160x128xi32, #tpu.memory_space<hbm>> -> memref<1x160x128xi32, #tpu.memory_space<hbm>>
        %dma_start3A_292 = tpu.memref_squeeze %dma_start3A_291 : memref<1x160x128xi32, #tpu.memory_space<hbm>> -> memref<160x128xi32, #tpu.memory_space<hbm>>
        %dma_start3A_293 = arith.constant 0 : i32
        %dma_start3A_294 = tpu.memref_slice %dma_start3A_292[%mul3A_277, %dma_start3A_293] : memref<160x128xi32, #tpu.memory_space<hbm>> -> memref<32x128xi32, #tpu.memory_space<hbm>>
        tpu.enqueue_dma source(%dma_start3A_294 : memref<32x128xi32, #tpu.memory_space<hbm>>) target(%arg7 : memref<32x128xi32, #tpu.memory_space<vmem>>) target_semaphore(%run_scoped3A : memref<!tpu.dma_semaphore, #tpu.memory_space<semaphore_mem>>)
        %dma_wait3A = arith.constant 0 : i32
        %dma_wait3A_295 = arith.constant 0 : i32
        %dma_wait3A_296 = tpu.memref_slice %arg4[%arg1, %dma_wait3A, %dma_wait3A_295] : memref<16x160x128xi32, #tpu.memory_space<hbm>> -> memref<1x160x128xi32, #tpu.memory_space<hbm>>
        %dma_wait3A_297 = tpu.memref_squeeze %dma_wait3A_296 : memref<1x160x128xi32, #tpu.memory_space<hbm>> -> memref<160x128xi32, #tpu.memory_space<hbm>>
        %dma_wait3A_298 = arith.constant 0 : i32
        %dma_wait3A_299 = tpu.memref_slice %dma_wait3A_297[%mul3A_277, %dma_wait3A_298] : memref<160x128xi32, #tpu.memory_space<hbm>> -> memref<32x128xi32, #tpu.memory_space<hbm>>
        %dma_wait3A_300 = arith.constant 0 : i32
        %dma_wait3A_301 = arith.constant 0 : i32
        %dma_wait3A_302 = tpu.memref_slice %arg4[%arg1, %dma_wait3A_300, %dma_wait3A_301] : memref<16x160x128xi32, #tpu.memory_space<hbm>> -> memref<1x160x128xi32, #tpu.memory_space<hbm>>
        %dma_wait3A_303 = tpu.memref_squeeze %dma_wait3A_302 : memref<1x160x128xi32, #tpu.memory_space<hbm>> -> memref<160x128xi32, #tpu.memory_space<hbm>>
        %dma_wait3A_304 = arith.constant 0 : i32
        %dma_wait3A_305 = tpu.memref_slice %dma_wait3A_303[%mul3A_277, %dma_wait3A_304] : memref<160x128xi32, #tpu.memory_space<hbm>> -> memref<32x128xi32, #tpu.memory_space<hbm>>
        tpu.wait_dma2 semaphore(%run_scoped3A : memref<!tpu.dma_semaphore, #tpu.memory_space<semaphore_mem>>) src(%dma_wait3A_305 : memref<32x128xi32, #tpu.memory_space<hbm>>) dst(%arg7 : memref<32x128xi32, #tpu.memory_space<vmem>>)
        tpu.yield
      }) : () -> ()
      %scan3A_278 = arith.constant 0 : i32
      %scan3A_279 = arith.constant 128 : i32
      %scan3A_280 = arith.addi %scan3A_278, %scan3A_279 : i32
      %scan3A_281 = arith.constant 1 : i32
      %scan3A_282 = scf.for %scan3A_284 = %scan3A_278 to %scan3A_280 step %scan3A_281 iter_args(%scan3A_285 = %scan3A_273) -> (i32)  : i32 {
        %mul3A_286 = arith.constant 2 : i32
        %mul3A_287 = arith.muli %mul3A_286, %scan3A_284 : i32
        %add3A_288 = arith.constant 0 : i32
        %add3A_289 = arith.addi %mul3A_287, %add3A_288 : i32
        %jit3A_290 = arith.constant 8 : i32
        %div3A_291 = arith.divsi %add3A_289, %jit3A_290 : i32
        %sign3A_292 = arith.constant 0 : i32
        %sign3A_293 = arith.cmpi sgt, %add3A_289, %sign3A_292 : i32
        %sign3A_294 = arith.extui %sign3A_293 : i1 to i32
        %sign3A_295 = arith.constant 0 : i32
        %sign3A_296 = arith.cmpi slt, %add3A_289, %sign3A_295 : i32
        %sign3A_297 = arith.extui %sign3A_296 : i1 to i32
        %sign3A_298 = arith.subi %sign3A_294, %sign3A_297 : i32
        %sign3A_299 = arith.constant 0 : i32
        %sign3A_300 = arith.cmpi sgt, %jit3A_290, %sign3A_299 : i32
        %sign3A_301 = arith.extui %sign3A_300 : i1 to i32
        %sign3A_302 = arith.constant 0 : i32
        %sign3A_303 = arith.cmpi slt, %jit3A_290, %sign3A_302 : i32
        %sign3A_304 = arith.extui %sign3A_303 : i1 to i32
        %sign3A_305 = arith.subi %sign3A_301, %sign3A_304 : i32
        %ne3A_306 = arith.cmpi ne, %sign3A_298, %sign3A_305 : i32
        %rem3A_307 = arith.remsi %add3A_289, %jit3A_290 : i32
        %ne3A_308 = arith.constant 0 : i32
        %ne3A_309 = arith.cmpi ne, %rem3A_307, %ne3A_308 : i32
        %and3A_310 = arith.andi %ne3A_306, %ne3A_309 : i1
        %sub3A_311 = arith.constant 1 : i32
        %sub3A_312 = arith.subi %div3A_291, %sub3A_311 : i32
        %select_n3A_313 = arith.select %and3A_310, %sub3A_312, %div3A_291 : i32
        %jit3A_314 = arith.constant 8 : i32
        %eq3A = arith.constant 0 : i32
        %eq3A_315 = arith.cmpi eq, %jit3A_314, %eq3A : i32
        %jit3A_316 = arith.constant 1 : i32
        %select_n3A_317 = arith.select %eq3A_315, %jit3A_316, %jit3A_314 : i32
        %rem3A_318 = arith.remsi %add3A_289, %select_n3A_317 : i32
        %ne3A_319 = arith.constant 0 : i32
        %ne3A_320 = arith.cmpi ne, %rem3A_318, %ne3A_319 : i32
        %lt3A = arith.constant 0 : i32
        %lt3A_321 = arith.cmpi slt, %rem3A_318, %lt3A : i32
        %lt3A_322 = arith.constant 0 : i32
        %lt3A_323 = arith.cmpi slt, %select_n3A_317, %lt3A_322 : i32
        %ne3A_324 = arith.xori %lt3A_321, %lt3A_323 : i1
        %and3A_325 = arith.andi %ne3A_324, %ne3A_320 : i1
        %add3A_326 = arith.addi %rem3A_318, %select_n3A_317 : i32
        %select_n3A_327 = arith.select %and3A_325, %add3A_326, %rem3A_318 : i32
        %mul3A_328 = arith.constant 16 : i32
        %mul3A_329 = arith.muli %select_n3A_327, %mul3A_328 : i32
        %get3A = arith.index_cast %select_n3A_313 : i32 to index
        %get3A_330 = arith.index_cast %mul3A_329 : i32 to index
        %get3A_331 = tpu.vector_load %arg7[%get3A, %get3A_330] {strides = array<i32>} : memref<32x128xi32, #tpu.memory_space<vmem>>, vector<16xi32>,
        %sub3A_332 = vector.broadcast %mul3A_0 : i32 to vector<16xi32>
        %sub3A_333 = arith.subi %get3A_331, %sub3A_332 : vector<16xi32>
        %ge3A = arith.constant 0 : i32
        %ge3A_334 = vector.broadcast %ge3A : i32 to vector<16xi32>
        %ge3A_335 = arith.cmpi sge, %sub3A_333, %ge3A_334 : vector<16xi32>
        %lt3A_336 = arith.constant 5120 : i32
        %lt3A_337 = vector.broadcast %lt3A_336 : i32 to vector<16xi32>
        %lt3A_338 = arith.cmpi slt, %sub3A_333, %lt3A_337 : vector<16xi32>
        %and3A_339 = arith.andi %ge3A_335, %lt3A_338 : vector<16xi1>
        %swap3A_340 = arith.index_cast %scan3A_285 : i32 to index
        %swap3A_341 = tpu.vector_load %arg9[%swap3A_340] masked %and3A_339 {strides = array<i32>} : memref<20736xi32, #tpu.memory_space<vmem>>, vector<16xi32>, vector<16xi1>
        tpu.vector_store %arg9[%swap3A_340], %sub3A_333 masked %and3A_339 {strides = array<i32>} : memref<20736xi32, #tpu.memory_space<vmem>>, vector<16xi32>, vector<16xi1>
        %get3A_342 = arith.index_cast %select_n3A_313 : i32 to index
        %get3A_343 = arith.index_cast %mul3A_329 : i32 to index
        %get3A_344 = tpu.vector_load %arg6[%get3A_342, %get3A_343] {strides = array<i32>} : memref<32x128xi32, #tpu.memory_space<vmem>>, vector<16xi32>,
        %swap3A_345 = arith.index_cast %scan3A_285 : i32 to index
        %swap3A_346 = tpu.vector_load %arg8[%swap3A_345] masked %and3A_339 {strides = array<i32>} : memref<20736xi32, #tpu.memory_space<vmem>>, vector<16xi32>, vector<16xi1>
        tpu.vector_store %arg8[%swap3A_345], %get3A_344 masked %and3A_339 {strides = array<i32>} : memref<20736xi32, #tpu.memory_space<vmem>>, vector<16xi32>, vector<16xi1>
        %all_reduce_population_count3A = tpu.all_reduce %and3A_339 {dim = 0 : i64, kind = #tpu.reduction_kind<sum>} : vector<16xi1> -> vector<16xi32>
        %slice3A = vector.extract_strided_slice %all_reduce_population_count3A {offsets = [0], sizes = [1], strides = [1]} : vector<16xi32> to vector<1xi32>
        %squeeze3A = vector.extract %slice3A[0] : i32 from vector<1xi32>
        %add3A_347 = arith.addi %scan3A_285, %squeeze3A : i32
        %mul3A_348 = arith.constant 2 : i32
        %mul3A_349 = arith.muli %mul3A_348, %scan3A_284 : i32
        %add3A_350 = arith.constant 1 : i32
        %add3A_351 = arith.addi %mul3A_349, %add3A_350 : i32
        %jit3A_352 = arith.constant 8 : i32
        %div3A_353 = arith.divsi %add3A_351, %jit3A_352 : i32
        %sign3A_354 = arith.constant 0 : i32
        %sign3A_355 = arith.cmpi sgt, %add3A_351, %sign3A_354 : i32
        %sign3A_356 = arith.extui %sign3A_355 : i1 to i32
        %sign3A_357 = arith.constant 0 : i32
        %sign3A_358 = arith.cmpi slt, %add3A_351, %sign3A_357 : i32
        %sign3A_359 = arith.extui %sign3A_358 : i1 to i32
        %sign3A_360 = arith.subi %sign3A_356, %sign3A_359 : i32
        %sign3A_361 = arith.constant 0 : i32
        %sign3A_362 = arith.cmpi sgt, %jit3A_352, %sign3A_361 : i32
        %sign3A_363 = arith.extui %sign3A_362 : i1 to i32
        %sign3A_364 = arith.constant 0 : i32
        %sign3A_365 = arith.cmpi slt, %jit3A_352, %sign3A_364 : i32
        %sign3A_366 = arith.extui %sign3A_365 : i1 to i32
        %sign3A_367 = arith.subi %sign3A_363, %sign3A_366 : i32
        %ne3A_368 = arith.cmpi ne, %sign3A_360, %sign3A_367 : i32
        %rem3A_369 = arith.remsi %add3A_351, %jit3A_352 : i32
        %ne3A_370 = arith.constant 0 : i32
        %ne3A_371 = arith.cmpi ne, %rem3A_369, %ne3A_370 : i32
        %and3A_372 = arith.andi %ne3A_368, %ne3A_371 : i1
        %sub3A_373 = arith.constant 1 : i32
        %sub3A_374 = arith.subi %div3A_353, %sub3A_373 : i32
        %select_n3A_375 = arith.select %and3A_372, %sub3A_374, %div3A_353 : i32
        %jit3A_376 = arith.constant 8 : i32
        %eq3A_377 = arith.constant 0 : i32
        %eq3A_378 = arith.cmpi eq, %jit3A_376, %eq3A_377 : i32
        %jit3A_379 = arith.constant 1 : i32
        %select_n3A_380 = arith.select %eq3A_378, %jit3A_379, %jit3A_376 : i32
        %rem3A_381 = arith.remsi %add3A_351, %select_n3A_380 : i32
        %ne3A_382 = arith.constant 0 : i32
        %ne3A_383 = arith.cmpi ne, %rem3A_381, %ne3A_382 : i32
        %lt3A_384 = arith.constant 0 : i32
        %lt3A_385 = arith.cmpi slt, %rem3A_381, %lt3A_384 : i32
        %lt3A_386 = arith.constant 0 : i32
        %lt3A_387 = arith.cmpi slt, %select_n3A_380, %lt3A_386 : i32
        %ne3A_388 = arith.xori %lt3A_385, %lt3A_387 : i1
        %and3A_389 = arith.andi %ne3A_388, %ne3A_383 : i1
        %add3A_390 = arith.addi %rem3A_381, %select_n3A_380 : i32
        %select_n3A_391 = arith.select %and3A_389, %add3A_390, %rem3A_381 : i32
        %mul3A_392 = arith.constant 16 : i32
        %mul3A_393 = arith.muli %select_n3A_391, %mul3A_392 : i32
        %get3A_394 = arith.index_cast %select_n3A_375 : i32 to index
        %get3A_395 = arith.index_cast %mul3A_393 : i32 to index
        %get3A_396 = tpu.vector_load %arg7[%get3A_394, %get3A_395] {strides = array<i32>} : memref<32x128xi32, #tpu.memory_space<vmem>>, vector<16xi32>,
        %sub3A_397 = vector.broadcast %mul3A_0 : i32 to vector<16xi32>
        %sub3A_398 = arith.subi %get3A_396, %sub3A_397 : vector<16xi32>
        %ge3A_399 = arith.constant 0 : i32
        %ge3A_400 = vector.broadcast %ge3A_399 : i32 to vector<16xi32>
        %ge3A_401 = arith.cmpi sge, %sub3A_398, %ge3A_400 : vector<16xi32>
        %lt3A_402 = arith.constant 5120 : i32
        %lt3A_403 = vector.broadcast %lt3A_402 : i32 to vector<16xi32>
        %lt3A_404 = arith.cmpi slt, %sub3A_398, %lt3A_403 : vector<16xi32>
        %and3A_405 = arith.andi %ge3A_401, %lt3A_404 : vector<16xi1>
        %swap3A_406 = arith.index_cast %add3A_347 : i32 to index
        %swap3A_407 = tpu.vector_load %arg9[%swap3A_406] masked %and3A_405 {strides = array<i32>} : memref<20736xi32, #tpu.memory_space<vmem>>, vector<16xi32>, vector<16xi1>
        tpu.vector_store %arg9[%swap3A_406], %sub3A_398 masked %and3A_405 {strides = array<i32>} : memref<20736xi32, #tpu.memory_space<vmem>>, vector<16xi32>, vector<16xi1>
        %get3A_408 = arith.index_cast %select_n3A_375 : i32 to index
        %get3A_409 = arith.index_cast %mul3A_393 : i32 to index
        %get3A_410 = tpu.vector_load %arg6[%get3A_408, %get3A_409] {strides = array<i32>} : memref<32x128xi32, #tpu.memory_space<vmem>>, vector<16xi32>,
        %swap3A_411 = arith.index_cast %add3A_347 : i32 to index
        %swap3A_412 = tpu.vector_load %arg8[%swap3A_411] masked %and3A_405 {strides = array<i32>} : memref<20736xi32, #tpu.memory_space<vmem>>, vector<16xi32>, vector<16xi1>
        tpu.vector_store %arg8[%swap3A_411], %get3A_410 masked %and3A_405 {strides = array<i32>} : memref<20736xi32, #tpu.memory_space<vmem>>, vector<16xi32>, vector<16xi1>
        %all_reduce_population_count3A_413 = tpu.all_reduce %and3A_405 {dim = 0 : i64, kind = #tpu.reduction_kind<sum>} : vector<16xi1> -> vector<16xi32>
        %slice3A_414 = vector.extract_strided_slice %all_reduce_population_count3A_413 {offsets = [0], sizes = [1], strides = [1]} : vector<16xi32> to vector<1xi32>
        %squeeze3A_415 = vector.extract %slice3A_414[0] : i32 from vector<1xi32>
        %add3A_416 = arith.addi %add3A_347, %squeeze3A_415 : i32
        scf.yield %add3A_416 : i32
      }
      %scan3A_283 = arith.constant 128 : i32
      scf.yield %scan3A_282 : i32
    }
    %scan3A_9 = arith.constant 5 : i32
    %broadcast_in_dim3A_10 = arith.constant 5120 : i32
    %broadcast_in_dim3A_11 = vector.broadcast %broadcast_in_dim3A_10 : i32 to vector<16xi32>
    %add3A = arith.constant 0 : i32
    %add3A_12 = arith.addi %scan3A_8, %add3A : i32
    %swap3A = arith.index_cast %add3A_12 : i32 to index
    %swap3A_13 = tpu.vector_load %arg9[%swap3A] {strides = array<i32>} : memref<20736xi32, #tpu.memory_space<vmem>>, vector<16xi32>,
    tpu.vector_store %arg9[%swap3A], %broadcast_in_dim3A_11 {strides = array<i32>} : memref<20736xi32, #tpu.memory_space<vmem>>, vector<16xi32>,
    %broadcast_in_dim3A_14 = arith.constant 0 : i32
    %broadcast_in_dim3A_15 = vector.broadcast %broadcast_in_dim3A_14 : i32 to vector<16xi32>
    %add3A_16 = arith.constant 0 : i32
    %add3A_17 = arith.addi %scan3A_8, %add3A_16 : i32
    %swap3A_18 = arith.index_cast %add3A_17 : i32 to index
    %swap3A_19 = tpu.vector_load %arg8[%swap3A_18] {strides = array<i32>} : memref<20736xi32, #tpu.memory_space<vmem>>, vector<16xi32>,
    tpu.vector_store %arg8[%swap3A_18], %broadcast_in_dim3A_15 {strides = array<i32>} : memref<20736xi32, #tpu.memory_space<vmem>>, vector<16xi32>,
    %broadcast_in_dim3A_20 = arith.constant 5120 : i32
    %broadcast_in_dim3A_21 = vector.broadcast %broadcast_in_dim3A_20 : i32 to vector<16xi32>
    %add3A_22 = arith.constant 16 : i32
    %add3A_23 = arith.addi %scan3A_8, %add3A_22 : i32
    %swap3A_24 = arith.index_cast %add3A_23 : i32 to index
    %swap3A_25 = tpu.vector_load %arg9[%swap3A_24] {strides = array<i32>} : memref<20736xi32, #tpu.memory_space<vmem>>, vector<16xi32>,
    tpu.vector_store %arg9[%swap3A_24], %broadcast_in_dim3A_21 {strides = array<i32>} : memref<20736xi32, #tpu.memory_space<vmem>>, vector<16xi32>,
    %broadcast_in_dim3A_26 = arith.constant 0 : i32
    %broadcast_in_dim3A_27 = vector.broadcast %broadcast_in_dim3A_26 : i32 to vector<16xi32>
    %add3A_28 = arith.constant 16 : i32
    %add3A_29 = arith.addi %scan3A_8, %add3A_28 : i32
    %swap3A_30 = arith.index_cast %add3A_29 : i32 to index
    %swap3A_31 = tpu.vector_load %arg8[%swap3A_30] {strides = array<i32>} : memref<20736xi32, #tpu.memory_space<vmem>>, vector<16xi32>,
    tpu.vector_store %arg8[%swap3A_30], %broadcast_in_dim3A_27 {strides = array<i32>} : memref<20736xi32, #tpu.memory_space<vmem>>, vector<16xi32>,
    %broadcast_in_dim3A_32 = arith.constant 5120 : i32
    %broadcast_in_dim3A_33 = vector.broadcast %broadcast_in_dim3A_32 : i32 to vector<16xi32>
    %add3A_34 = arith.constant 32 : i32
    %add3A_35 = arith.addi %scan3A_8, %add3A_34 : i32
    %swap3A_36 = arith.index_cast %add3A_35 : i32 to index
    %swap3A_37 = tpu.vector_load %arg9[%swap3A_36] {strides = array<i32>} : memref<20736xi32, #tpu.memory_space<vmem>>, vector<16xi32>,
    tpu.vector_store %arg9[%swap3A_36], %broadcast_in_dim3A_33 {strides = array<i32>} : memref<20736xi32, #tpu.memory_space<vmem>>, vector<16xi32>,
    %broadcast_in_dim3A_38 = arith.constant 0 : i32
    %broadcast_in_dim3A_39 = vector.broadcast %broadcast_in_dim3A_38 : i32 to vector<16xi32>
    %add3A_40 = arith.constant 32 : i32
    %add3A_41 = arith.addi %scan3A_8, %add3A_40 : i32
    %swap3A_42 = arith.index_cast %add3A_41 : i32 to index
    %swap3A_43 = tpu.vector_load %arg8[%swap3A_42] {strides = array<i32>} : memref<20736xi32, #tpu.memory_space<vmem>>, vector<16xi32>,
    tpu.vector_store %arg8[%swap3A_42], %broadcast_in_dim3A_39 {strides = array<i32>} : memref<20736xi32, #tpu.memory_space<vmem>>, vector<16xi32>,
    %broadcast_in_dim3A_44 = arith.constant 5120 : i32
    %broadcast_in_dim3A_45 = vector.broadcast %broadcast_in_dim3A_44 : i32 to vector<16xi32>
    %add3A_46 = arith.constant 48 : i32
    %add3A_47 = arith.addi %scan3A_8, %add3A_46 : i32
    %swap3A_48 = arith.index_cast %add3A_47 : i32 to index
    %swap3A_49 = tpu.vector_load %arg9[%swap3A_48] {strides = array<i32>} : memref<20736xi32, #tpu.memory_space<vmem>>, vector<16xi32>,
    tpu.vector_store %arg9[%swap3A_48], %broadcast_in_dim3A_45 {strides = array<i32>} : memref<20736xi32, #tpu.memory_space<vmem>>, vector<16xi32>,
    %broadcast_in_dim3A_50 = arith.constant 0 : i32
    %broadcast_in_dim3A_51 = vector.broadcast %broadcast_in_dim3A_50 : i32 to vector<16xi32>
    %add3A_52 = arith.constant 48 : i32
    %add3A_53 = arith.addi %scan3A_8, %add3A_52 : i32
    %swap3A_54 = arith.index_cast %add3A_53 : i32 to index
    %swap3A_55 = tpu.vector_load %arg8[%swap3A_54] {strides = array<i32>} : memref<20736xi32, #tpu.memory_space<vmem>>, vector<16xi32>,
    tpu.vector_store %arg8[%swap3A_54], %broadcast_in_dim3A_51 {strides = array<i32>} : memref<20736xi32, #tpu.memory_space<vmem>>, vector<16xi32>,
    %broadcast_in_dim3A_56 = arith.constant 5120 : i32
    %broadcast_in_dim3A_57 = vector.broadcast %broadcast_in_dim3A_56 : i32 to vector<16xi32>
    %add3A_58 = arith.constant 64 : i32
    %add3A_59 = arith.addi %scan3A_8, %add3A_58 : i32
    %swap3A_60 = arith.index_cast %add3A_59 : i32 to index
    %swap3A_61 = tpu.vector_load %arg9[%swap3A_60] {strides = array<i32>} : memref<20736xi32, #tpu.memory_space<vmem>>, vector<16xi32>,
    tpu.vector_store %arg9[%swap3A_60], %broadcast_in_dim3A_57 {strides = array<i32>} : memref<20736xi32, #tpu.memory_space<vmem>>, vector<16xi32>,
    %broadcast_in_dim3A_62 = arith.constant 0 : i32
    %broadcast_in_dim3A_63 = vector.broadcast %broadcast_in_dim3A_62 : i32 to vector<16xi32>
    %add3A_64 = arith.constant 64 : i32
    %add3A_65 = arith.addi %scan3A_8, %add3A_64 : i32
    %swap3A_66 = arith.index_cast %add3A_65 : i32 to index
    %swap3A_67 = tpu.vector_load %arg8[%swap3A_66] {strides = array<i32>} : memref<20736xi32, #tpu.memory_space<vmem>>, vector<16xi32>,
    tpu.vector_store %arg8[%swap3A_66], %broadcast_in_dim3A_63 {strides = array<i32>} : memref<20736xi32, #tpu.memory_space<vmem>>, vector<16xi32>,
    %broadcast_in_dim3A_68 = arith.constant 5120 : i32
    %broadcast_in_dim3A_69 = vector.broadcast %broadcast_in_dim3A_68 : i32 to vector<16xi32>
    %add3A_70 = arith.constant 80 : i32
    %add3A_71 = arith.addi %scan3A_8, %add3A_70 : i32
    %swap3A_72 = arith.index_cast %add3A_71 : i32 to index
    %swap3A_73 = tpu.vector_load %arg9[%swap3A_72] {strides = array<i32>} : memref<20736xi32, #tpu.memory_space<vmem>>, vector<16xi32>,
    tpu.vector_store %arg9[%swap3A_72], %broadcast_in_dim3A_69 {strides = array<i32>} : memref<20736xi32, #tpu.memory_space<vmem>>, vector<16xi32>,
    %broadcast_in_dim3A_74 = arith.constant 0 : i32
    %broadcast_in_dim3A_75 = vector.broadcast %broadcast_in_dim3A_74 : i32 to vector<16xi32>
    %add3A_76 = arith.constant 80 : i32
    %add3A_77 = arith.addi %scan3A_8, %add3A_76 : i32
    %swap3A_78 = arith.index_cast %add3A_77 : i32 to index
    %swap3A_79 = tpu.vector_load %arg8[%swap3A_78] {strides = array<i32>} : memref<20736xi32, #tpu.memory_space<vmem>>, vector<16xi32>,
    tpu.vector_store %arg8[%swap3A_78], %broadcast_in_dim3A_75 {strides = array<i32>} : memref<20736xi32, #tpu.memory_space<vmem>>, vector<16xi32>,
    %broadcast_in_dim3A_80 = arith.constant 5120 : i32
    %broadcast_in_dim3A_81 = vector.broadcast %broadcast_in_dim3A_80 : i32 to vector<16xi32>
    %add3A_82 = arith.constant 96 : i32
    %add3A_83 = arith.addi %scan3A_8, %add3A_82 : i32
    %swap3A_84 = arith.index_cast %add3A_83 : i32 to index
    %swap3A_85 = tpu.vector_load %arg9[%swap3A_84] {strides = array<i32>} : memref<20736xi32, #tpu.memory_space<vmem>>, vector<16xi32>,
    tpu.vector_store %arg9[%swap3A_84], %broadcast_in_dim3A_81 {strides = array<i32>} : memref<20736xi32, #tpu.memory_space<vmem>>, vector<16xi32>,
    %broadcast_in_dim3A_86 = arith.constant 0 : i32
    %broadcast_in_dim3A_87 = vector.broadcast %broadcast_in_dim3A_86 : i32 to vector<16xi32>
    %add3A_88 = arith.constant 96 : i32
    %add3A_89 = arith.addi %scan3A_8, %add3A_88 : i32
    %swap3A_90 = arith.index_cast %add3A_89 : i32 to index
    %swap3A_91 = tpu.vector_load %arg8[%swap3A_90] {strides = array<i32>} : memref<20736xi32, #tpu.memory_space<vmem>>, vector<16xi32>,
    tpu.vector_store %arg8[%swap3A_90], %broadcast_in_dim3A_87 {strides = array<i32>} : memref<20736xi32, #tpu.memory_space<vmem>>, vector<16xi32>,
    %broadcast_in_dim3A_92 = arith.constant 5120 : i32
    %broadcast_in_dim3A_93 = vector.broadcast %broadcast_in_dim3A_92 : i32 to vector<16xi32>
    %add3A_94 = arith.constant 112 : i32
    %add3A_95 = arith.addi %scan3A_8, %add3A_94 : i32
    %swap3A_96 = arith.index_cast %add3A_95 : i32 to index
    %swap3A_97 = tpu.vector_load %arg9[%swap3A_96] {strides = array<i32>} : memref<20736xi32, #tpu.memory_space<vmem>>, vector<16xi32>,
    tpu.vector_store %arg9[%swap3A_96], %broadcast_in_dim3A_93 {strides = array<i32>} : memref<20736xi32, #tpu.memory_space<vmem>>, vector<16xi32>,
    %broadcast_in_dim3A_98 = arith.constant 0 : i32
    %broadcast_in_dim3A_99 = vector.broadcast %broadcast_in_dim3A_98 : i32 to vector<16xi32>
    %add3A_100 = arith.constant 112 : i32
    %add3A_101 = arith.addi %scan3A_8, %add3A_100 : i32
    %swap3A_102 = arith.index_cast %add3A_101 : i32 to index
    %swap3A_103 = tpu.vector_load %arg8[%swap3A_102] {strides = array<i32>} : memref<20736xi32, #tpu.memory_space<vmem>>, vector<16xi32>,
    tpu.vector_store %arg8[%swap3A_102], %broadcast_in_dim3A_99 {strides = array<i32>} : memref<20736xi32, #tpu.memory_space<vmem>>, vector<16xi32>,
    %broadcast_in_dim3A_104 = arith.constant 5120 : i32
    %broadcast_in_dim3A_105 = vector.broadcast %broadcast_in_dim3A_104 : i32 to vector<16xi32>
    %add3A_106 = arith.constant 128 : i32
    %add3A_107 = arith.addi %scan3A_8, %add3A_106 : i32
    %swap3A_108 = arith.index_cast %add3A_107 : i32 to index
    %swap3A_109 = tpu.vector_load %arg9[%swap3A_108] {strides = array<i32>} : memref<20736xi32, #tpu.memory_space<vmem>>, vector<16xi32>,
    tpu.vector_store %arg9[%swap3A_108], %broadcast_in_dim3A_105 {strides = array<i32>} : memref<20736xi32, #tpu.memory_space<vmem>>, vector<16xi32>,
    %broadcast_in_dim3A_110 = arith.constant 0 : i32
    %broadcast_in_dim3A_111 = vector.broadcast %broadcast_in_dim3A_110 : i32 to vector<16xi32>
    %add3A_112 = arith.constant 128 : i32
    %add3A_113 = arith.addi %scan3A_8, %add3A_112 : i32
    %swap3A_114 = arith.index_cast %add3A_113 : i32 to index
    %swap3A_115 = tpu.vector_load %arg8[%swap3A_114] {strides = array<i32>} : memref<20736xi32, #tpu.memory_space<vmem>>, vector<16xi32>,
    tpu.vector_store %arg8[%swap3A_114], %broadcast_in_dim3A_111 {strides = array<i32>} : memref<20736xi32, #tpu.memory_space<vmem>>, vector<16xi32>,
    %broadcast_in_dim3A_116 = arith.constant 5120 : i32
    %broadcast_in_dim3A_117 = vector.broadcast %broadcast_in_dim3A_116 : i32 to vector<16xi32>
    %add3A_118 = arith.constant 144 : i32
    %add3A_119 = arith.addi %scan3A_8, %add3A_118 : i32
    %swap3A_120 = arith.index_cast %add3A_119 : i32 to index
    %swap3A_121 = tpu.vector_load %arg9[%swap3A_120] {strides = array<i32>} : memref<20736xi32, #tpu.memory_space<vmem>>, vector<16xi32>,
    tpu.vector_store %arg9[%swap3A_120], %broadcast_in_dim3A_117 {strides = array<i32>} : memref<20736xi32, #tpu.memory_space<vmem>>, vector<16xi32>,
    %broadcast_in_dim3A_122 = arith.constant 0 : i32
    %broadcast_in_dim3A_123 = vector.broadcast %broadcast_in_dim3A_122 : i32 to vector<16xi32>
    %add3A_124 = arith.constant 144 : i32
    %add3A_125 = arith.addi %scan3A_8, %add3A_124 : i32
    %swap3A_126 = arith.index_cast %add3A_125 : i32 to index
    %swap3A_127 = tpu.vector_load %arg8[%swap3A_126] {strides = array<i32>} : memref<20736xi32, #tpu.memory_space<vmem>>, vector<16xi32>,
    tpu.vector_store %arg8[%swap3A_126], %broadcast_in_dim3A_123 {strides = array<i32>} : memref<20736xi32, #tpu.memory_space<vmem>>, vector<16xi32>,
    %broadcast_in_dim3A_128 = arith.constant 5120 : i32
    %broadcast_in_dim3A_129 = vector.broadcast %broadcast_in_dim3A_128 : i32 to vector<16xi32>
    %add3A_130 = arith.constant 160 : i32
    %add3A_131 = arith.addi %scan3A_8, %add3A_130 : i32
    %swap3A_132 = arith.index_cast %add3A_131 : i32 to index
    %swap3A_133 = tpu.vector_load %arg9[%swap3A_132] {strides = array<i32>} : memref<20736xi32, #tpu.memory_space<vmem>>, vector<16xi32>,
    tpu.vector_store %arg9[%swap3A_132], %broadcast_in_dim3A_129 {strides = array<i32>} : memref<20736xi32, #tpu.memory_space<vmem>>, vector<16xi32>,
    %broadcast_in_dim3A_134 = arith.constant 0 : i32
    %broadcast_in_dim3A_135 = vector.broadcast %broadcast_in_dim3A_134 : i32 to vector<16xi32>
    %add3A_136 = arith.constant 160 : i32
    %add3A_137 = arith.addi %scan3A_8, %add3A_136 : i32
    %swap3A_138 = arith.index_cast %add3A_137 : i32 to index
    %swap3A_139 = tpu.vector_load %arg8[%swap3A_138] {strides = array<i32>} : memref<20736xi32, #tpu.memory_space<vmem>>, vector<16xi32>,
    tpu.vector_store %arg8[%swap3A_138], %broadcast_in_dim3A_135 {strides = array<i32>} : memref<20736xi32, #tpu.memory_space<vmem>>, vector<16xi32>,
    %broadcast_in_dim3A_140 = arith.constant 5120 : i32
    %broadcast_in_dim3A_141 = vector.broadcast %broadcast_in_dim3A_140 : i32 to vector<16xi32>
    %add3A_142 = arith.constant 176 : i32
    %add3A_143 = arith.addi %scan3A_8, %add3A_142 : i32
    %swap3A_144 = arith.index_cast %add3A_143 : i32 to index
    %swap3A_145 = tpu.vector_load %arg9[%swap3A_144] {strides = array<i32>} : memref<20736xi32, #tpu.memory_space<vmem>>, vector<16xi32>,
    tpu.vector_store %arg9[%swap3A_144], %broadcast_in_dim3A_141 {strides = array<i32>} : memref<20736xi32, #tpu.memory_space<vmem>>, vector<16xi32>,
    %broadcast_in_dim3A_146 = arith.constant 0 : i32
    %broadcast_in_dim3A_147 = vector.broadcast %broadcast_in_dim3A_146 : i32 to vector<16xi32>
    %add3A_148 = arith.constant 176 : i32
    %add3A_149 = arith.addi %scan3A_8, %add3A_148 : i32
    %swap3A_150 = arith.index_cast %add3A_149 : i32 to index
    %swap3A_151 = tpu.vector_load %arg8[%swap3A_150] {strides = array<i32>} : memref<20736xi32, #tpu.memory_space<vmem>>, vector<16xi32>,
    tpu.vector_store %arg8[%swap3A_150], %broadcast_in_dim3A_147 {strides = array<i32>} : memref<20736xi32, #tpu.memory_space<vmem>>, vector<16xi32>,
    %broadcast_in_dim3A_152 = arith.constant 5120 : i32
    %broadcast_in_dim3A_153 = vector.broadcast %broadcast_in_dim3A_152 : i32 to vector<16xi32>
    %add3A_154 = arith.constant 192 : i32
    %add3A_155 = arith.addi %scan3A_8, %add3A_154 : i32
    %swap3A_156 = arith.index_cast %add3A_155 : i32 to index
    %swap3A_157 = tpu.vector_load %arg9[%swap3A_156] {strides = array<i32>} : memref<20736xi32, #tpu.memory_space<vmem>>, vector<16xi32>,
    tpu.vector_store %arg9[%swap3A_156], %broadcast_in_dim3A_153 {strides = array<i32>} : memref<20736xi32, #tpu.memory_space<vmem>>, vector<16xi32>,
    %broadcast_in_dim3A_158 = arith.constant 0 : i32
    %broadcast_in_dim3A_159 = vector.broadcast %broadcast_in_dim3A_158 : i32 to vector<16xi32>
    %add3A_160 = arith.constant 192 : i32
    %add3A_161 = arith.addi %scan3A_8, %add3A_160 : i32
    %swap3A_162 = arith.index_cast %add3A_161 : i32 to index
    %swap3A_163 = tpu.vector_load %arg8[%swap3A_162] {strides = array<i32>} : memref<20736xi32, #tpu.memory_space<vmem>>, vector<16xi32>,
    tpu.vector_store %arg8[%swap3A_162], %broadcast_in_dim3A_159 {strides = array<i32>} : memref<20736xi32, #tpu.memory_space<vmem>>, vector<16xi32>,
    %broadcast_in_dim3A_164 = arith.constant 5120 : i32
    %broadcast_in_dim3A_165 = vector.broadcast %broadcast_in_dim3A_164 : i32 to vector<16xi32>
    %add3A_166 = arith.constant 208 : i32
    %add3A_167 = arith.addi %scan3A_8, %add3A_166 : i32
    %swap3A_168 = arith.index_cast %add3A_167 : i32 to index
    %swap3A_169 = tpu.vector_load %arg9[%swap3A_168] {strides = array<i32>} : memref<20736xi32, #tpu.memory_space<vmem>>, vector<16xi32>,
    tpu.vector_store %arg9[%swap3A_168], %broadcast_in_dim3A_165 {strides = array<i32>} : memref<20736xi32, #tpu.memory_space<vmem>>, vector<16xi32>,
    %broadcast_in_dim3A_170 = arith.constant 0 : i32
    %broadcast_in_dim3A_171 = vector.broadcast %broadcast_in_dim3A_170 : i32 to vector<16xi32>
    %add3A_172 = arith.constant 208 : i32
    %add3A_173 = arith.addi %scan3A_8, %add3A_172 : i32
    %swap3A_174 = arith.index_cast %add3A_173 : i32 to index
    %swap3A_175 = tpu.vector_load %arg8[%swap3A_174] {strides = array<i32>} : memref<20736xi32, #tpu.memory_space<vmem>>, vector<16xi32>,
    tpu.vector_store %arg8[%swap3A_174], %broadcast_in_dim3A_171 {strides = array<i32>} : memref<20736xi32, #tpu.memory_space<vmem>>, vector<16xi32>,
    %broadcast_in_dim3A_176 = arith.constant 5120 : i32
    %broadcast_in_dim3A_177 = vector.broadcast %broadcast_in_dim3A_176 : i32 to vector<16xi32>
    %add3A_178 = arith.constant 224 : i32
    %add3A_179 = arith.addi %scan3A_8, %add3A_178 : i32
    %swap3A_180 = arith.index_cast %add3A_179 : i32 to index
    %swap3A_181 = tpu.vector_load %arg9[%swap3A_180] {strides = array<i32>} : memref<20736xi32, #tpu.memory_space<vmem>>, vector<16xi32>,
    tpu.vector_store %arg9[%swap3A_180], %broadcast_in_dim3A_177 {strides = array<i32>} : memref<20736xi32, #tpu.memory_space<vmem>>, vector<16xi32>,
    %broadcast_in_dim3A_182 = arith.constant 0 : i32
    %broadcast_in_dim3A_183 = vector.broadcast %broadcast_in_dim3A_182 : i32 to vector<16xi32>
    %add3A_184 = arith.constant 224 : i32
    %add3A_185 = arith.addi %scan3A_8, %add3A_184 : i32
    %swap3A_186 = arith.index_cast %add3A_185 : i32 to index
    %swap3A_187 = tpu.vector_load %arg8[%swap3A_186] {strides = array<i32>} : memref<20736xi32, #tpu.memory_space<vmem>>, vector<16xi32>,
    tpu.vector_store %arg8[%swap3A_186], %broadcast_in_dim3A_183 {strides = array<i32>} : memref<20736xi32, #tpu.memory_space<vmem>>, vector<16xi32>,
    %broadcast_in_dim3A_188 = arith.constant 5120 : i32
    %broadcast_in_dim3A_189 = vector.broadcast %broadcast_in_dim3A_188 : i32 to vector<16xi32>
    %add3A_190 = arith.constant 240 : i32
    %add3A_191 = arith.addi %scan3A_8, %add3A_190 : i32
    %swap3A_192 = arith.index_cast %add3A_191 : i32 to index
    %swap3A_193 = tpu.vector_load %arg9[%swap3A_192] {strides = array<i32>} : memref<20736xi32, #tpu.memory_space<vmem>>, vector<16xi32>,
    tpu.vector_store %arg9[%swap3A_192], %broadcast_in_dim3A_189 {strides = array<i32>} : memref<20736xi32, #tpu.memory_space<vmem>>, vector<16xi32>,
    %broadcast_in_dim3A_194 = arith.constant 0 : i32
    %broadcast_in_dim3A_195 = vector.broadcast %broadcast_in_dim3A_194 : i32 to vector<16xi32>
    %add3A_196 = arith.constant 240 : i32
    %add3A_197 = arith.addi %scan3A_8, %add3A_196 : i32
    %swap3A_198 = arith.index_cast %add3A_197 : i32 to index
    %swap3A_199 = tpu.vector_load %arg8[%swap3A_198] {strides = array<i32>} : memref<20736xi32, #tpu.memory_space<vmem>>, vector<16xi32>,
    tpu.vector_store %arg8[%swap3A_198], %broadcast_in_dim3A_195 {strides = array<i32>} : memref<20736xi32, #tpu.memory_space<vmem>>, vector<16xi32>,
    %scan3A_200 = arith.constant 0 : i32
    %scan3A_201 = arith.constant 0 : i32
    %scan3A_202 = arith.constant 512 : i32
    %scan3A_203 = arith.addi %scan3A_201, %scan3A_202 : i32
    %scan3A_204 = arith.constant 1 : i32
    %scan3A_205 = scf.for %scan3A_272 = %scan3A_201 to %scan3A_203 step %scan3A_204 iter_args(%scan3A_273 = %scan3A_200) -> (i32)  : i32 {
      %broadcast_in_dim3A_274 = arith.constant 0.000000e+00 : f32
      %broadcast_in_dim3A_275 = vector.broadcast %broadcast_in_dim3A_274 : f32 to vector<16xf32>
      %jit3A_276 = arith.constant 8 : i32
      %div3A_277 = arith.divsi %scan3A_272, %jit3A_276 : i32
      %sign3A_278 = arith.constant 0 : i32
      %sign3A_279 = arith.cmpi sgt, %scan3A_272, %sign3A_278 : i32
      %sign3A_280 = arith.extui %sign3A_279 : i1 to i32
      %sign3A_281 = arith.constant 0 : i32
      %sign3A_282 = arith.cmpi slt, %scan3A_272, %sign3A_281 : i32
      %sign3A_283 = arith.extui %sign3A_282 : i1 to i32
      %sign3A_284 = arith.subi %sign3A_280, %sign3A_283 : i32
      %sign3A_285 = arith.constant 0 : i32
      %sign3A_286 = arith.cmpi sgt, %jit3A_276, %sign3A_285 : i32
      %sign3A_287 = arith.extui %sign3A_286 : i1 to i32
      %sign3A_288 = arith.constant 0 : i32
      %sign3A_289 = arith.cmpi slt, %jit3A_276, %sign3A_288 : i32
      %sign3A_290 = arith.extui %sign3A_289 : i1 to i32
      %sign3A_291 = arith.subi %sign3A_287, %sign3A_290 : i32
      %ne3A_292 = arith.cmpi ne, %sign3A_284, %sign3A_291 : i32
      %rem3A_293 = arith.remsi %scan3A_272, %jit3A_276 : i32
      %ne3A_294 = arith.constant 0 : i32
      %ne3A_295 = arith.cmpi ne, %rem3A_293, %ne3A_294 : i32
      %and3A_296 = arith.andi %ne3A_292, %ne3A_295 : i1
      %sub3A_297 = arith.constant 1 : i32
      %sub3A_298 = arith.subi %div3A_277, %sub3A_297 : i32
      %select_n3A_299 = arith.select %and3A_296, %sub3A_298, %div3A_277 : i32
      %jit3A_300 = arith.constant 8 : i32
      %eq3A = arith.constant 0 : i32
      %eq3A_301 = arith.cmpi eq, %jit3A_300, %eq3A : i32
      %jit3A_302 = arith.constant 1 : i32
      %select_n3A_303 = arith.select %eq3A_301, %jit3A_302, %jit3A_300 : i32
      %rem3A_304 = arith.remsi %scan3A_272, %select_n3A_303 : i32
      %ne3A_305 = arith.constant 0 : i32
      %ne3A_306 = arith.cmpi ne, %rem3A_304, %ne3A_305 : i32
      %lt3A = arith.constant 0 : i32
      %lt3A_307 = arith.cmpi slt, %rem3A_304, %lt3A : i32
      %lt3A_308 = arith.constant 0 : i32
      %lt3A_309 = arith.cmpi slt, %select_n3A_303, %lt3A_308 : i32
      %ne3A_310 = arith.xori %lt3A_307, %lt3A_309 : i1
      %and3A_311 = arith.andi %ne3A_310, %ne3A_306 : i1
      %add3A_312 = arith.addi %rem3A_304, %select_n3A_303 : i32
      %select_n3A_313 = arith.select %and3A_311, %add3A_312, %rem3A_304 : i32
      %mul3A_314 = arith.constant 16 : i32
      %mul3A_315 = arith.muli %select_n3A_313, %mul3A_314 : i32
      %swap3A_316 = arith.index_cast %select_n3A_299 : i32 to index
      %swap3A_317 = arith.index_cast %mul3A_315 : i32 to index
      %swap3A_318 = tpu.vector_load %arg10[%swap3A_316, %swap3A_317] {strides = array<i32>} : memref<64x128xf32, #tpu.memory_space<vmem>>, vector<16xf32>,
      tpu.vector_store %arg10[%swap3A_316, %swap3A_317], %broadcast_in_dim3A_275 {strides = array<i32>} : memref<64x128xf32, #tpu.memory_space<vmem>>, vector<16xf32>,
      %scan3A_319 = arith.constant 0 : i32
      scf.yield %scan3A_319 : i32
    }
    %scan3A_206 = arith.constant 512 : i32
    %mul3A_207 = arith.constant 336 : i32
    %mul3A_208 = arith.muli %arg1, %mul3A_207 : i32
    %add3A_209 = arith.constant 0 : i32
    %add3A_210 = arith.addi %mul3A_208, %add3A_209 : i32
    "tpu.region"() ({
      %run_scoped3A = tpu.sem_alloc : memref<!tpu.dma_semaphore, #tpu.memory_space<semaphore_mem>>
      %dma_start3A = arith.constant 0 : i32
      %dma_start3A_272 = tpu.memref_slice %arg15[%add3A_210, %dma_start3A] : memref<5376x128xf32, #tpu.memory_space<vmem_shared>> -> memref<64x128xf32, #tpu.memory_space<vmem_shared>>
      %dma_start3A_273 = arith.constant 0 : i32
      %dma_start3A_274 = tpu.memref_slice %arg15[%add3A_210, %dma_start3A_273] : memref<5376x128xf32, #tpu.memory_space<vmem_shared>> -> memref<64x128xf32, #tpu.memory_space<vmem_shared>>
      tpu.enqueue_dma source(%arg10 : memref<64x128xf32, #tpu.memory_space<vmem>>) target(%dma_start3A_274 : memref<64x128xf32, #tpu.memory_space<vmem_shared>>) target_semaphore(%run_scoped3A : memref<!tpu.dma_semaphore, #tpu.memory_space<semaphore_mem>>)
      %dma_wait3A = arith.constant 0 : i32
      %dma_wait3A_275 = tpu.memref_slice %arg15[%add3A_210, %dma_wait3A] : memref<5376x128xf32, #tpu.memory_space<vmem_shared>> -> memref<64x128xf32, #tpu.memory_space<vmem_shared>>
      %dma_wait3A_276 = arith.constant 0 : i32
      %dma_wait3A_277 = tpu.memref_slice %arg15[%add3A_210, %dma_wait3A_276] : memref<5376x128xf32, #tpu.memory_space<vmem_shared>> -> memref<64x128xf32, #tpu.memory_space<vmem_shared>>
      tpu.wait_dma2 semaphore(%run_scoped3A : memref<!tpu.dma_semaphore, #tpu.memory_space<semaphore_mem>>) src(%arg10 : memref<64x128xf32, #tpu.memory_space<vmem>>) dst(%dma_wait3A_277 : memref<64x128xf32, #tpu.memory_space<vmem_shared>>)
      tpu.yield
    }) : () -> ()
    %mul3A_211 = arith.constant 336 : i32
    %mul3A_212 = arith.muli %arg1, %mul3A_211 : i32
    %add3A_213 = arith.constant 64 : i32
    %add3A_214 = arith.addi %mul3A_212, %add3A_213 : i32
    "tpu.region"() ({
      %run_scoped3A = tpu.sem_alloc : memref<!tpu.dma_semaphore, #tpu.memory_space<semaphore_mem>>
      %dma_start3A = arith.constant 0 : i32
      %dma_start3A_272 = tpu.memref_slice %arg15[%add3A_214, %dma_start3A] : memref<5376x128xf32, #tpu.memory_space<vmem_shared>> -> memref<64x128xf32, #tpu.memory_space<vmem_shared>>
      %dma_start3A_273 = arith.constant 0 : i32
      %dma_start3A_274 = tpu.memref_slice %arg15[%add3A_214, %dma_start3A_273] : memref<5376x128xf32, #tpu.memory_space<vmem_shared>> -> memref<64x128xf32, #tpu.memory_space<vmem_shared>>
      tpu.enqueue_dma source(%arg10 : memref<64x128xf32, #tpu.memory_space<vmem>>) target(%dma_start3A_274 : memref<64x128xf32, #tpu.memory_space<vmem_shared>>) target_semaphore(%run_scoped3A : memref<!tpu.dma_semaphore, #tpu.memory_space<semaphore_mem>>)
      %dma_wait3A = arith.constant 0 : i32
      %dma_wait3A_275 = tpu.memref_slice %arg15[%add3A_214, %dma_wait3A] : memref<5376x128xf32, #tpu.memory_space<vmem_shared>> -> memref<64x128xf32, #tpu.memory_space<vmem_shared>>
      %dma_wait3A_276 = arith.constant 0 : i32
      %dma_wait3A_277 = tpu.memref_slice %arg15[%add3A_214, %dma_wait3A_276] : memref<5376x128xf32, #tpu.memory_space<vmem_shared>> -> memref<64x128xf32, #tpu.memory_space<vmem_shared>>
      tpu.wait_dma2 semaphore(%run_scoped3A : memref<!tpu.dma_semaphore, #tpu.memory_space<semaphore_mem>>) src(%arg10 : memref<64x128xf32, #tpu.memory_space<vmem>>) dst(%dma_wait3A_277 : memref<64x128xf32, #tpu.memory_space<vmem_shared>>)
      tpu.yield
    }) : () -> ()
    %mul3A_215 = arith.constant 336 : i32
    %mul3A_216 = arith.muli %arg1, %mul3A_215 : i32
    %add3A_217 = arith.constant 128 : i32
    %add3A_218 = arith.addi %mul3A_216, %add3A_217 : i32
    "tpu.region"() ({
      %run_scoped3A = tpu.sem_alloc : memref<!tpu.dma_semaphore, #tpu.memory_space<semaphore_mem>>
      %dma_start3A = arith.constant 0 : i32
      %dma_start3A_272 = tpu.memref_slice %arg15[%add3A_218, %dma_start3A] : memref<5376x128xf32, #tpu.memory_space<vmem_shared>> -> memref<64x128xf32, #tpu.memory_space<vmem_shared>>
      %dma_start3A_273 = arith.constant 0 : i32
      %dma_start3A_274 = tpu.memref_slice %arg15[%add3A_218, %dma_start3A_273] : memref<5376x128xf32, #tpu.memory_space<vmem_shared>> -> memref<64x128xf32, #tpu.memory_space<vmem_shared>>
      tpu.enqueue_dma source(%arg10 : memref<64x128xf32, #tpu.memory_space<vmem>>) target(%dma_start3A_274 : memref<64x128xf32, #tpu.memory_space<vmem_shared>>) target_semaphore(%run_scoped3A : memref<!tpu.dma_semaphore, #tpu.memory_space<semaphore_mem>>)
      %dma_wait3A = arith.constant 0 : i32
      %dma_wait3A_275 = tpu.memref_slice %arg15[%add3A_218, %dma_wait3A] : memref<5376x128xf32, #tpu.memory_space<vmem_shared>> -> memref<64x128xf32, #tpu.memory_space<vmem_shared>>
      %dma_wait3A_276 = arith.constant 0 : i32
      %dma_wait3A_277 = tpu.memref_slice %arg15[%add3A_218, %dma_wait3A_276] : memref<5376x128xf32, #tpu.memory_space<vmem_shared>> -> memref<64x128xf32, #tpu.memory_space<vmem_shared>>
      tpu.wait_dma2 semaphore(%run_scoped3A : memref<!tpu.dma_semaphore, #tpu.memory_space<semaphore_mem>>) src(%arg10 : memref<64x128xf32, #tpu.memory_space<vmem>>) dst(%dma_wait3A_277 : memref<64x128xf32, #tpu.memory_space<vmem_shared>>)
      tpu.yield
    }) : () -> ()
    %mul3A_219 = arith.constant 336 : i32
    %mul3A_220 = arith.muli %arg1, %mul3A_219 : i32
    %add3A_221 = arith.constant 192 : i32
    %add3A_222 = arith.addi %mul3A_220, %add3A_221 : i32
    "tpu.region"() ({
      %run_scoped3A = tpu.sem_alloc : memref<!tpu.dma_semaphore, #tpu.memory_space<semaphore_mem>>
      %dma_start3A = arith.constant 0 : i32
      %dma_start3A_272 = tpu.memref_slice %arg15[%add3A_222, %dma_start3A] : memref<5376x128xf32, #tpu.memory_space<vmem_shared>> -> memref<64x128xf32, #tpu.memory_space<vmem_shared>>
      %dma_start3A_273 = arith.constant 0 : i32
      %dma_start3A_274 = tpu.memref_slice %arg15[%add3A_222, %dma_start3A_273] : memref<5376x128xf32, #tpu.memory_space<vmem_shared>> -> memref<64x128xf32, #tpu.memory_space<vmem_shared>>
      tpu.enqueue_dma source(%arg10 : memref<64x128xf32, #tpu.memory_space<vmem>>) target(%dma_start3A_274 : memref<64x128xf32, #tpu.memory_space<vmem_shared>>) target_semaphore(%run_scoped3A : memref<!tpu.dma_semaphore, #tpu.memory_space<semaphore_mem>>)
      %dma_wait3A = arith.constant 0 : i32
      %dma_wait3A_275 = tpu.memref_slice %arg15[%add3A_222, %dma_wait3A] : memref<5376x128xf32, #tpu.memory_space<vmem_shared>> -> memref<64x128xf32, #tpu.memory_space<vmem_shared>>
      %dma_wait3A_276 = arith.constant 0 : i32
      %dma_wait3A_277 = tpu.memref_slice %arg15[%add3A_222, %dma_wait3A_276] : memref<5376x128xf32, #tpu.memory_space<vmem_shared>> -> memref<64x128xf32, #tpu.memory_space<vmem_shared>>
      tpu.wait_dma2 semaphore(%run_scoped3A : memref<!tpu.dma_semaphore, #tpu.memory_space<semaphore_mem>>) src(%arg10 : memref<64x128xf32, #tpu.memory_space<vmem>>) dst(%dma_wait3A_277 : memref<64x128xf32, #tpu.memory_space<vmem_shared>>)
      tpu.yield
    }) : () -> ()
    %mul3A_223 = arith.constant 336 : i32
    %mul3A_224 = arith.muli %arg1, %mul3A_223 : i32
    %add3A_225 = arith.constant 256 : i32
    %add3A_226 = arith.addi %mul3A_224, %add3A_225 : i32
    "tpu.region"() ({
      %run_scoped3A = tpu.sem_alloc : memref<!tpu.dma_semaphore, #tpu.memory_space<semaphore_mem>>
      %dma_start3A = arith.constant 0 : i32
      %dma_start3A_272 = tpu.memref_slice %arg15[%add3A_226, %dma_start3A] : memref<5376x128xf32, #tpu.memory_space<vmem_shared>> -> memref<64x128xf32, #tpu.memory_space<vmem_shared>>
      %dma_start3A_273 = arith.constant 0 : i32
      %dma_start3A_274 = tpu.memref_slice %arg15[%add3A_226, %dma_start3A_273] : memref<5376x128xf32, #tpu.memory_space<vmem_shared>> -> memref<64x128xf32, #tpu.memory_space<vmem_shared>>
      tpu.enqueue_dma source(%arg10 : memref<64x128xf32, #tpu.memory_space<vmem>>) target(%dma_start3A_274 : memref<64x128xf32, #tpu.memory_space<vmem_shared>>) target_semaphore(%run_scoped3A : memref<!tpu.dma_semaphore, #tpu.memory_space<semaphore_mem>>)
      %dma_wait3A = arith.constant 0 : i32
      %dma_wait3A_275 = tpu.memref_slice %arg15[%add3A_226, %dma_wait3A] : memref<5376x128xf32, #tpu.memory_space<vmem_shared>> -> memref<64x128xf32, #tpu.memory_space<vmem_shared>>
      %dma_wait3A_276 = arith.constant 0 : i32
      %dma_wait3A_277 = tpu.memref_slice %arg15[%add3A_226, %dma_wait3A_276] : memref<5376x128xf32, #tpu.memory_space<vmem_shared>> -> memref<64x128xf32, #tpu.memory_space<vmem_shared>>
      tpu.wait_dma2 semaphore(%run_scoped3A : memref<!tpu.dma_semaphore, #tpu.memory_space<semaphore_mem>>) src(%arg10 : memref<64x128xf32, #tpu.memory_space<vmem>>) dst(%dma_wait3A_277 : memref<64x128xf32, #tpu.memory_space<vmem_shared>>)
      tpu.yield
    }) : () -> ()
    %mul3A_227 = arith.constant 336 : i32
    %mul3A_228 = arith.muli %arg1, %mul3A_227 : i32
    %add3A_229 = arith.constant 320 : i32
    %add3A_230 = arith.addi %mul3A_228, %add3A_229 : i32
    "tpu.region"() ({
      %run_scoped3A = tpu.sem_alloc : memref<!tpu.dma_semaphore, #tpu.memory_space<semaphore_mem>>
      %dma_start3A = arith.constant 0 : i32
      %dma_start3A_272 = arith.constant 0 : i32
      %dma_start3A_273 = tpu.memref_slice %arg10[%dma_start3A, %dma_start3A_272] : memref<64x128xf32, #tpu.memory_space<vmem>> -> memref<16x128xf32, #tpu.memory_space<vmem>>
      %dma_start3A_274 = arith.constant 0 : i32
      %dma_start3A_275 = tpu.memref_slice %arg15[%add3A_230, %dma_start3A_274] : memref<5376x128xf32, #tpu.memory_space<vmem_shared>> -> memref<16x128xf32, #tpu.memory_space<vmem_shared>>
      %dma_start3A_276 = arith.constant 0 : i32
      %dma_start3A_277 = tpu.memref_slice %arg15[%add3A_230, %dma_start3A_276] : memref<5376x128xf32, #tpu.memory_space<vmem_shared>> -> memref<16x128xf32, #tpu.memory_space<vmem_shared>>
      %dma_start3A_278 = arith.constant 0 : i32
      %dma_start3A_279 = arith.constant 0 : i32
      %dma_start3A_280 = tpu.memref_slice %arg10[%dma_start3A_278, %dma_start3A_279] : memref<64x128xf32, #tpu.memory_space<vmem>> -> memref<16x128xf32, #tpu.memory_space<vmem>>
      tpu.enqueue_dma source(%dma_start3A_280 : memref<16x128xf32, #tpu.memory_space<vmem>>) target(%dma_start3A_277 : memref<16x128xf32, #tpu.memory_space<vmem_shared>>) target_semaphore(%run_scoped3A : memref<!tpu.dma_semaphore, #tpu.memory_space<semaphore_mem>>)
      %dma_wait3A = arith.constant 0 : i32
      %dma_wait3A_281 = arith.constant 0 : i32
      %dma_wait3A_282 = tpu.memref_slice %arg10[%dma_wait3A, %dma_wait3A_281] : memref<64x128xf32, #tpu.memory_space<vmem>> -> memref<16x128xf32, #tpu.memory_space<vmem>>
      %dma_wait3A_283 = arith.constant 0 : i32
      %dma_wait3A_284 = tpu.memref_slice %arg15[%add3A_230, %dma_wait3A_283] : memref<5376x128xf32, #tpu.memory_space<vmem_shared>> -> memref<16x128xf32, #tpu.memory_space<vmem_shared>>
      %dma_wait3A_285 = arith.constant 0 : i32
      %dma_wait3A_286 = tpu.memref_slice %arg15[%add3A_230, %dma_wait3A_285] : memref<5376x128xf32, #tpu.memory_space<vmem_shared>> -> memref<16x128xf32, #tpu.memory_space<vmem_shared>>
      %dma_wait3A_287 = arith.constant 0 : i32
      %dma_wait3A_288 = arith.constant 0 : i32
      %dma_wait3A_289 = tpu.memref_slice %arg10[%dma_wait3A_287, %dma_wait3A_288] : memref<64x128xf32, #tpu.memory_space<vmem>> -> memref<16x128xf32, #tpu.memory_space<vmem>>
      tpu.wait_dma2 semaphore(%run_scoped3A : memref<!tpu.dma_semaphore, #tpu.memory_space<semaphore_mem>>) src(%dma_wait3A_289 : memref<16x128xf32, #tpu.memory_space<vmem>>) dst(%dma_wait3A_286 : memref<16x128xf32, #tpu.memory_space<vmem_shared>>)
      tpu.yield
    }) : () -> ()
    %barrier3A = arith.constant 0 : index
    tpu.barrier barrier_id(%barrier3A)
    %add3A_231 = arith.constant 256 : i32
    %add3A_232 = arith.addi %scan3A_8, %add3A_231 : i32
    %sub3A = arith.constant 1 : i32
    %sub3A_233 = arith.subi %add3A_232, %sub3A : i32
    %jit3A = arith.constant 256 : i32
    %div3A = arith.divsi %sub3A_233, %jit3A : i32
    %sign3A = arith.constant 0 : i32
    %sign3A_234 = arith.cmpi sgt, %sub3A_233, %sign3A : i32
    %sign3A_235 = arith.extui %sign3A_234 : i1 to i32
    %sign3A_236 = arith.constant 0 : i32
    %sign3A_237 = arith.cmpi slt, %sub3A_233, %sign3A_236 : i32
    %sign3A_238 = arith.extui %sign3A_237 : i1 to i32
    %sign3A_239 = arith.subi %sign3A_235, %sign3A_238 : i32
    %sign3A_240 = arith.constant 0 : i32
    %sign3A_241 = arith.cmpi sgt, %jit3A, %sign3A_240 : i32
    %sign3A_242 = arith.extui %sign3A_241 : i1 to i32
    %sign3A_243 = arith.constant 0 : i32
    %sign3A_244 = arith.cmpi slt, %jit3A, %sign3A_243 : i32
    %sign3A_245 = arith.extui %sign3A_244 : i1 to i32
    %sign3A_246 = arith.subi %sign3A_242, %sign3A_245 : i32
    %ne3A = arith.cmpi ne, %sign3A_239, %sign3A_246 : i32
    %rem3A = arith.remsi %sub3A_233, %jit3A : i32
    %ne3A_247 = arith.constant 0 : i32
    %ne3A_248 = arith.cmpi ne, %rem3A, %ne3A_247 : i32
    %and3A = arith.andi %ne3A, %ne3A_248 : i1
    %sub3A_249 = arith.constant 1 : i32
    %sub3A_250 = arith.subi %div3A, %sub3A_249 : i32
    %select_n3A = arith.select %and3A, %sub3A_250, %div3A : i32
    %gt3A = arith.constant 0 : i32
    %gt3A_251 = arith.cmpi sgt, %select_n3A, %gt3A : i32
    %convert_element_type3A = arith.extui %gt3A_251 : i1 to i32
    %cond3A = arith.constant 0 : i32
    %cond3A_252 = arith.cmpi ne, %convert_element_type3A, %cond3A : i32
    scf.if %cond3A_252 {
      %dma_start3A = arith.constant 0 : i32
      %dma_start3A_272 = tpu.memref_slice %arg8[%dma_start3A] : memref<20736xi32, #tpu.memory_space<vmem>> -> memref<64xi32, #tpu.memory_space<vmem>>
      %dma_start3A_273 = arith.constant 0 : i32
      %dma_start3A_274 = arith.constant 0 : i32
      %dma_start3A_275 = tpu.memref_slice %arg2[%dma_start3A_273, %dma_start3A_274] : memref<10000x128xf32, #tpu.memory_space<hbm>> -> memref<10000x128xf32, #tpu.memory_space<hbm>>
      tpu.enqueue_indirect_dma source(%dma_start3A_275 : memref<10000x128xf32, #tpu.memory_space<hbm>>) target(%arg10 : memref<64x128xf32, #tpu.memory_space<vmem>>) offsets(%dma_start3A_272 : memref<64xi32, #tpu.memory_space<vmem>>) semaphore(%arg16 : memref<!tpu.dma_semaphore, #tpu.memory_space<semaphore_mem>>)
      %dma_start3A_276 = arith.constant 64 : i32
      %dma_start3A_277 = tpu.memref_slice %arg8[%dma_start3A_276] : memref<20736xi32, #tpu.memory_space<vmem>> -> memref<64xi32, #tpu.memory_space<vmem>>
      %dma_start3A_278 = arith.constant 0 : i32
      %dma_start3A_279 = arith.constant 0 : i32
      %dma_start3A_280 = tpu.memref_slice %arg2[%dma_start3A_278, %dma_start3A_279] : memref<10000x128xf32, #tpu.memory_space<hbm>> -> memref<10000x128xf32, #tpu.memory_space<hbm>>
      tpu.enqueue_indirect_dma source(%dma_start3A_280 : memref<10000x128xf32, #tpu.memory_space<hbm>>) target(%arg11 : memref<64x128xf32, #tpu.memory_space<vmem>>) offsets(%dma_start3A_277 : memref<64xi32, #tpu.memory_space<vmem>>) semaphore(%arg17 : memref<!tpu.dma_semaphore, #tpu.memory_space<semaphore_mem>>)
      %dma_start3A_281 = arith.constant 128 : i32
      %dma_start3A_282 = tpu.memref_slice %arg8[%dma_start3A_281] : memref<20736xi32, #tpu.memory_space<vmem>> -> memref<64xi32, #tpu.memory_space<vmem>>
      %dma_start3A_283 = arith.constant 0 : i32
      %dma_start3A_284 = arith.constant 0 : i32
      %dma_start3A_285 = tpu.memref_slice %arg2[%dma_start3A_283, %dma_start3A_284] : memref<10000x128xf32, #tpu.memory_space<hbm>> -> memref<10000x128xf32, #tpu.memory_space<hbm>>
      tpu.enqueue_indirect_dma source(%dma_start3A_285 : memref<10000x128xf32, #tpu.memory_space<hbm>>) target(%arg12 : memref<64x128xf32, #tpu.memory_space<vmem>>) offsets(%dma_start3A_282 : memref<64xi32, #tpu.memory_space<vmem>>) semaphore(%arg18 : memref<!tpu.dma_semaphore, #tpu.memory_space<semaphore_mem>>)
      %dma_start3A_286 = arith.constant 192 : i32
      %dma_start3A_287 = tpu.memref_slice %arg8[%dma_start3A_286] : memref<20736xi32, #tpu.memory_space<vmem>> -> memref<64xi32, #tpu.memory_space<vmem>>
      %dma_start3A_288 = arith.constant 0 : i32
      %dma_start3A_289 = arith.constant 0 : i32
      %dma_start3A_290 = tpu.memref_slice %arg2[%dma_start3A_288, %dma_start3A_289] : memref<10000x128xf32, #tpu.memory_space<hbm>> -> memref<10000x128xf32, #tpu.memory_space<hbm>>
      tpu.enqueue_indirect_dma source(%dma_start3A_290 : memref<10000x128xf32, #tpu.memory_space<hbm>>) target(%arg13 : memref<64x128xf32, #tpu.memory_space<vmem>>) offsets(%dma_start3A_287 : memref<64xi32, #tpu.memory_space<vmem>>) semaphore(%arg19 : memref<!tpu.dma_semaphore, #tpu.memory_space<semaphore_mem>>)
    } else {
    }
    %while3A = arith.constant 0 : i32
    %while3A_253 = arith.constant 0 : i32
    %while3A_254 = arith.subi %select_n3A, %while3A : i32
    %while3A_255 = arith.addi %while3A, %while3A_254 : i32
    %while3A_256 = arith.constant 1 : i32
    %while3A_257 = arith.divsi %while3A_254, %while3A_256 : i32
    %while3A_258 = arith.muli %while3A_257, %while3A_256 : i32
    %while3A_259 = arith.addi %while3A, %while3A_258 : i32
    %while3A_260 = arith.constant 1 : i32
    %while3A_261 = scf.for %while3A_272 = %while3A to %while3A_259 step %while3A_260 iter_args(%while3A_273 = %while3A_253) -> (i32)  : i32 {
      %mul3A_274 = arith.constant 4 : i32
      %mul3A_275 = arith.muli %mul3A_274, %while3A_272 : i32
      %add3A_276 = arith.constant 0 : i32
      %add3A_277 = arith.addi %mul3A_275, %add3A_276 : i32
      %mul3A_278 = arith.constant 64 : i32
      %mul3A_279 = arith.muli %add3A_277, %mul3A_278 : i32
      %dma_wait3A = tpu.memref_slice %arg8[%mul3A_279] : memref<20736xi32, #tpu.memory_space<vmem>> -> memref<64xi32, #tpu.memory_space<vmem>>
      %dma_wait3A_280 = arith.constant 0 : i32
      %dma_wait3A_281 = arith.constant 0 : i32
      %dma_wait3A_282 = tpu.memref_slice %arg2[%dma_wait3A_280, %dma_wait3A_281] : memref<10000x128xf32, #tpu.memory_space<hbm>> -> memref<10000x128xf32, #tpu.memory_space<hbm>>
      tpu.wait_indirect_dma semaphore(%arg16 : memref<!tpu.dma_semaphore, #tpu.memory_space<semaphore_mem>>) src(%dma_wait3A_282 : memref<10000x128xf32, #tpu.memory_space<hbm>>) dst(%arg10 : memref<64x128xf32, #tpu.memory_space<vmem>>)
      %mul3A_283 = arith.constant 64 : i32
      %mul3A_284 = arith.muli %add3A_277, %mul3A_283 : i32
      %add3A_285 = arith.constant 0 : i32
      %add3A_286 = arith.addi %mul3A_284, %add3A_285 : i32
      %get3A = arith.index_cast %add3A_286 : i32 to index
      %get3A_287 = tpu.vector_load %arg9[%get3A] {strides = array<i32>} : memref<20736xi32, #tpu.memory_space<vmem>>, vector<16xi32>,
      %swap3A_288 = arith.constant 0 : index
      %swap3A_289 = tpu.vector_load %arg14[%swap3A_288] {strides = array<i32>} : memref<64xi32, #tpu.memory_space<vmem>>, vector<16xi32>,
      tpu.vector_store %arg14[%swap3A_288], %get3A_287 {strides = array<i32>} : memref<64xi32, #tpu.memory_space<vmem>>, vector<16xi32>,
      %mul3A_290 = arith.constant 64 : i32
      %mul3A_291 = arith.muli %add3A_277, %mul3A_290 : i32
      %add3A_292 = arith.constant 16 : i32
      %add3A_293 = arith.addi %mul3A_291, %add3A_292 : i32
      %get3A_294 = arith.index_cast %add3A_293 : i32 to index
      %get3A_295 = tpu.vector_load %arg9[%get3A_294] {strides = array<i32>} : memref<20736xi32, #tpu.memory_space<vmem>>, vector<16xi32>,
      %swap3A_296 = arith.constant 16 : index
      %swap3A_297 = tpu.vector_load %arg14[%swap3A_296] {strides = array<i32>} : memref<64xi32, #tpu.memory_space<vmem>>, vector<16xi32>,
      tpu.vector_store %arg14[%swap3A_296], %get3A_295 {strides = array<i32>} : memref<64xi32, #tpu.memory_space<vmem>>, vector<16xi32>,
      %mul3A_298 = arith.constant 64 : i32
      %mul3A_299 = arith.muli %add3A_277, %mul3A_298 : i32
      %add3A_300 = arith.constant 32 : i32
      %add3A_301 = arith.addi %mul3A_299, %add3A_300 : i32
      %get3A_302 = arith.index_cast %add3A_301 : i32 to index
      %get3A_303 = tpu.vector_load %arg9[%get3A_302] {strides = array<i32>} : memref<20736xi32, #tpu.memory_space<vmem>>, vector<16xi32>,
      %swap3A_304 = arith.constant 32 : index
      %swap3A_305 = tpu.vector_load %arg14[%swap3A_304] {strides = array<i32>} : memref<64xi32, #tpu.memory_space<vmem>>, vector<16xi32>,
      tpu.vector_store %arg14[%swap3A_304], %get3A_303 {strides = array<i32>} : memref<64xi32, #tpu.memory_space<vmem>>, vector<16xi32>,
      %mul3A_306 = arith.constant 64 : i32
      %mul3A_307 = arith.muli %add3A_277, %mul3A_306 : i32
      %add3A_308 = arith.constant 48 : i32
      %add3A_309 = arith.addi %mul3A_307, %add3A_308 : i32
      %get3A_310 = arith.index_cast %add3A_309 : i32 to index
      %get3A_311 = tpu.vector_load %arg9[%get3A_310] {strides = array<i32>} : memref<20736xi32, #tpu.memory_space<vmem>>, vector<16xi32>,
      %swap3A_312 = arith.constant 48 : index
      %swap3A_313 = tpu.vector_load %arg14[%swap3A_312] {strides = array<i32>} : memref<64xi32, #tpu.memory_space<vmem>>, vector<16xi32>,
      tpu.vector_store %arg14[%swap3A_312], %get3A_311 {strides = array<i32>} : memref<64xi32, #tpu.memory_space<vmem>>, vector<16xi32>,
      "tpu.region"() ({
        %run_scoped3A = tpu.sem_alloc : memref<!tpu.dma_semaphore, #tpu.memory_space<semaphore_mem>>
        %dma_start3A = arith.constant 0 : i32
        %dma_start3A_466 = arith.constant 0 : i32
        %dma_start3A_467 = tpu.memref_slice %arg15[%dma_start3A, %dma_start3A_466] : memref<5376x128xf32, #tpu.memory_space<vmem_shared>> -> memref<5376x128xf32, #tpu.memory_space<vmem_shared>>
        tpu.enqueue_indirect_dma source(%arg10 : memref<64x128xf32, #tpu.memory_space<vmem>>) target(%dma_start3A_467 : memref<5376x128xf32, #tpu.memory_space<vmem_shared>>) offsets(%arg14 : memref<64xi32, #tpu.memory_space<vmem>>) semaphore(%run_scoped3A : memref<!tpu.dma_semaphore, #tpu.memory_space<semaphore_mem>>) {add = true}
        %dma_wait3A_468 = arith.constant 0 : i32
        %dma_wait3A_469 = arith.constant 0 : i32
        %dma_wait3A_470 = tpu.memref_slice %arg15[%dma_wait3A_468, %dma_wait3A_469] : memref<5376x128xf32, #tpu.memory_space<vmem_shared>> -> memref<5376x128xf32, #tpu.memory_space<vmem_shared>>
        tpu.wait_indirect_dma semaphore(%run_scoped3A : memref<!tpu.dma_semaphore, #tpu.memory_space<semaphore_mem>>) src(%arg10 : memref<64x128xf32, #tpu.memory_space<vmem>>) dst(%dma_wait3A_470 : memref<5376x128xf32, #tpu.memory_space<vmem_shared>>)
        tpu.yield
      }) : () -> ()
      %add3A_314 = arith.constant 4 : i32
      %add3A_315 = arith.addi %add3A_277, %add3A_314 : i32
      %mul3A_316 = arith.constant 4 : i32
      %mul3A_317 = arith.muli %mul3A_316, %select_n3A : i32
      %lt3A = arith.cmpi slt, %add3A_315, %mul3A_317 : i32
      %convert_element_type3A_318 = arith.extui %lt3A : i1 to i32
      %cond3A_319 = arith.constant 0 : i32
      %cond3A_320 = arith.cmpi ne, %convert_element_type3A_318, %cond3A_319 : i32
      scf.if %cond3A_320 {
        %add3A_466 = arith.constant 4 : i32
        %add3A_467 = arith.addi %add3A_277, %add3A_466 : i32
        %mul3A_468 = arith.constant 64 : i32
        %mul3A_469 = arith.muli %add3A_467, %mul3A_468 : i32
        %dma_start3A = tpu.memref_slice %arg8[%mul3A_469] : memref<20736xi32, #tpu.memory_space<vmem>> -> memref<64xi32, #tpu.memory_space<vmem>>
        %dma_start3A_470 = arith.constant 0 : i32
        %dma_start3A_471 = arith.constant 0 : i32
        %dma_start3A_472 = tpu.memref_slice %arg2[%dma_start3A_470, %dma_start3A_471] : memref<10000x128xf32, #tpu.memory_space<hbm>> -> memref<10000x128xf32, #tpu.memory_space<hbm>>
        tpu.enqueue_indirect_dma source(%dma_start3A_472 : memref<10000x128xf32, #tpu.memory_space<hbm>>) target(%arg10 : memref<64x128xf32, #tpu.memory_space<vmem>>) offsets(%dma_start3A : memref<64xi32, #tpu.memory_space<vmem>>) semaphore(%arg16 : memref<!tpu.dma_semaphore, #tpu.memory_space<semaphore_mem>>)
      } else {
      }
      %add3A_321 = arith.constant 1 : i32
      %add3A_322 = arith.addi %mul3A_275, %add3A_321 : i32
      %mul3A_323 = arith.constant 64 : i32
      %mul3A_324 = arith.muli %add3A_322, %mul3A_323 : i32
      %dma_wait3A_325 = tpu.memref_slice %arg8[%mul3A_324] : memref<20736xi32, #tpu.memory_space<vmem>> -> memref<64xi32, #tpu.memory_space<vmem>>
      %dma_wait3A_326 = arith.constant 0 : i32
      %dma_wait3A_327 = arith.constant 0 : i32
      %dma_wait3A_328 = tpu.memref_slice %arg2[%dma_wait3A_326, %dma_wait3A_327] : memref<10000x128xf32, #tpu.memory_space<hbm>> -> memref<10000x128xf32, #tpu.memory_space<hbm>>
      tpu.wait_indirect_dma semaphore(%arg17 : memref<!tpu.dma_semaphore, #tpu.memory_space<semaphore_mem>>) src(%dma_wait3A_328 : memref<10000x128xf32, #tpu.memory_space<hbm>>) dst(%arg11 : memref<64x128xf32, #tpu.memory_space<vmem>>)
      %mul3A_329 = arith.constant 64 : i32
      %mul3A_330 = arith.muli %add3A_322, %mul3A_329 : i32
      %add3A_331 = arith.constant 0 : i32
      %add3A_332 = arith.addi %mul3A_330, %add3A_331 : i32
      %get3A_333 = arith.index_cast %add3A_332 : i32 to index
      %get3A_334 = tpu.vector_load %arg9[%get3A_333] {strides = array<i32>} : memref<20736xi32, #tpu.memory_space<vmem>>, vector<16xi32>,
      %swap3A_335 = arith.constant 0 : index
      %swap3A_336 = tpu.vector_load %arg14[%swap3A_335] {strides = array<i32>} : memref<64xi32, #tpu.memory_space<vmem>>, vector<16xi32>,
      tpu.vector_store %arg14[%swap3A_335], %get3A_334 {strides = array<i32>} : memref<64xi32, #tpu.memory_space<vmem>>, vector<16xi32>,
      %mul3A_337 = arith.constant 64 : i32
      %mul3A_338 = arith.muli %add3A_322, %mul3A_337 : i32
      %add3A_339 = arith.constant 16 : i32
      %add3A_340 = arith.addi %mul3A_338, %add3A_339 : i32
      %get3A_341 = arith.index_cast %add3A_340 : i32 to index
      %get3A_342 = tpu.vector_load %arg9[%get3A_341] {strides = array<i32>} : memref<20736xi32, #tpu.memory_space<vmem>>, vector<16xi32>,
      %swap3A_343 = arith.constant 16 : index
      %swap3A_344 = tpu.vector_load %arg14[%swap3A_343] {strides = array<i32>} : memref<64xi32, #tpu.memory_space<vmem>>, vector<16xi32>,
      tpu.vector_store %arg14[%swap3A_343], %get3A_342 {strides = array<i32>} : memref<64xi32, #tpu.memory_space<vmem>>, vector<16xi32>,
      %mul3A_345 = arith.constant 64 : i32
      %mul3A_346 = arith.muli %add3A_322, %mul3A_345 : i32
      %add3A_347 = arith.constant 32 : i32
      %add3A_348 = arith.addi %mul3A_346, %add3A_347 : i32
      %get3A_349 = arith.index_cast %add3A_348 : i32 to index
      %get3A_350 = tpu.vector_load %arg9[%get3A_349] {strides = array<i32>} : memref<20736xi32, #tpu.memory_space<vmem>>, vector<16xi32>,
      %swap3A_351 = arith.constant 32 : index
      %swap3A_352 = tpu.vector_load %arg14[%swap3A_351] {strides = array<i32>} : memref<64xi32, #tpu.memory_space<vmem>>, vector<16xi32>,
      tpu.vector_store %arg14[%swap3A_351], %get3A_350 {strides = array<i32>} : memref<64xi32, #tpu.memory_space<vmem>>, vector<16xi32>,
      %mul3A_353 = arith.constant 64 : i32
      %mul3A_354 = arith.muli %add3A_322, %mul3A_353 : i32
      %add3A_355 = arith.constant 48 : i32
      %add3A_356 = arith.addi %mul3A_354, %add3A_355 : i32
      %get3A_357 = arith.index_cast %add3A_356 : i32 to index
      %get3A_358 = tpu.vector_load %arg9[%get3A_357] {strides = array<i32>} : memref<20736xi32, #tpu.memory_space<vmem>>, vector<16xi32>,
      %swap3A_359 = arith.constant 48 : index
      %swap3A_360 = tpu.vector_load %arg14[%swap3A_359] {strides = array<i32>} : memref<64xi32, #tpu.memory_space<vmem>>, vector<16xi32>,
      tpu.vector_store %arg14[%swap3A_359], %get3A_358 {strides = array<i32>} : memref<64xi32, #tpu.memory_space<vmem>>, vector<16xi32>,
      "tpu.region"() ({
        %run_scoped3A = tpu.sem_alloc : memref<!tpu.dma_semaphore, #tpu.memory_space<semaphore_mem>>
        %dma_start3A = arith.constant 0 : i32
        %dma_start3A_466 = arith.constant 0 : i32
        %dma_start3A_467 = tpu.memref_slice %arg15[%dma_start3A, %dma_start3A_466] : memref<5376x128xf32, #tpu.memory_space<vmem_shared>> -> memref<5376x128xf32, #tpu.memory_space<vmem_shared>>
        tpu.enqueue_indirect_dma source(%arg11 : memref<64x128xf32, #tpu.memory_space<vmem>>) target(%dma_start3A_467 : memref<5376x128xf32, #tpu.memory_space<vmem_shared>>) offsets(%arg14 : memref<64xi32, #tpu.memory_space<vmem>>) semaphore(%run_scoped3A : memref<!tpu.dma_semaphore, #tpu.memory_space<semaphore_mem>>) {add = true}
        %dma_wait3A_468 = arith.constant 0 : i32
        %dma_wait3A_469 = arith.constant 0 : i32
        %dma_wait3A_470 = tpu.memref_slice %arg15[%dma_wait3A_468, %dma_wait3A_469] : memref<5376x128xf32, #tpu.memory_space<vmem_shared>> -> memref<5376x128xf32, #tpu.memory_space<vmem_shared>>
        tpu.wait_indirect_dma semaphore(%run_scoped3A : memref<!tpu.dma_semaphore, #tpu.memory_space<semaphore_mem>>) src(%arg11 : memref<64x128xf32, #tpu.memory_space<vmem>>) dst(%dma_wait3A_470 : memref<5376x128xf32, #tpu.memory_space<vmem_shared>>)
        tpu.yield
      }) : () -> ()
      %add3A_361 = arith.constant 4 : i32
      %add3A_362 = arith.addi %add3A_322, %add3A_361 : i32
      %mul3A_363 = arith.constant 4 : i32
      %mul3A_364 = arith.muli %mul3A_363, %select_n3A : i32
      %lt3A_365 = arith.cmpi slt, %add3A_362, %mul3A_364 : i32
      %convert_element_type3A_366 = arith.extui %lt3A_365 : i1 to i32
      %cond3A_367 = arith.constant 0 : i32
      %cond3A_368 = arith.cmpi ne, %convert_element_type3A_366, %cond3A_367 : i32
      scf.if %cond3A_368 {
        %add3A_466 = arith.constant 4 : i32
        %add3A_467 = arith.addi %add3A_322, %add3A_466 : i32
        %mul3A_468 = arith.constant 64 : i32
        %mul3A_469 = arith.muli %add3A_467, %mul3A_468 : i32
        %dma_start3A = tpu.memref_slice %arg8[%mul3A_469] : memref<20736xi32, #tpu.memory_space<vmem>> -> memref<64xi32, #tpu.memory_space<vmem>>
        %dma_start3A_470 = arith.constant 0 : i32
        %dma_start3A_471 = arith.constant 0 : i32
        %dma_start3A_472 = tpu.memref_slice %arg2[%dma_start3A_470, %dma_start3A_471] : memref<10000x128xf32, #tpu.memory_space<hbm>> -> memref<10000x128xf32, #tpu.memory_space<hbm>>
        tpu.enqueue_indirect_dma source(%dma_start3A_472 : memref<10000x128xf32, #tpu.memory_space<hbm>>) target(%arg11 : memref<64x128xf32, #tpu.memory_space<vmem>>) offsets(%dma_start3A : memref<64xi32, #tpu.memory_space<vmem>>) semaphore(%arg17 : memref<!tpu.dma_semaphore, #tpu.memory_space<semaphore_mem>>)
      } else {
      }
      %add3A_369 = arith.constant 2 : i32
      %add3A_370 = arith.addi %mul3A_275, %add3A_369 : i32
      %mul3A_371 = arith.constant 64 : i32
      %mul3A_372 = arith.muli %add3A_370, %mul3A_371 : i32
      %dma_wait3A_373 = tpu.memref_slice %arg8[%mul3A_372] : memref<20736xi32, #tpu.memory_space<vmem>> -> memref<64xi32, #tpu.memory_space<vmem>>
      %dma_wait3A_374 = arith.constant 0 : i32
      %dma_wait3A_375 = arith.constant 0 : i32
      %dma_wait3A_376 = tpu.memref_slice %arg2[%dma_wait3A_374, %dma_wait3A_375] : memref<10000x128xf32, #tpu.memory_space<hbm>> -> memref<10000x128xf32, #tpu.memory_space<hbm>>
      tpu.wait_indirect_dma semaphore(%arg18 : memref<!tpu.dma_semaphore, #tpu.memory_space<semaphore_mem>>) src(%dma_wait3A_376 : memref<10000x128xf32, #tpu.memory_space<hbm>>) dst(%arg12 : memref<64x128xf32, #tpu.memory_space<vmem>>)
      %mul3A_377 = arith.constant 64 : i32
      %mul3A_378 = arith.muli %add3A_370, %mul3A_377 : i32
      %add3A_379 = arith.constant 0 : i32
      %add3A_380 = arith.addi %mul3A_378, %add3A_379 : i32
      %get3A_381 = arith.index_cast %add3A_380 : i32 to index
      %get3A_382 = tpu.vector_load %arg9[%get3A_381] {strides = array<i32>} : memref<20736xi32, #tpu.memory_space<vmem>>, vector<16xi32>,
      %swap3A_383 = arith.constant 0 : index
      %swap3A_384 = tpu.vector_load %arg14[%swap3A_383] {strides = array<i32>} : memref<64xi32, #tpu.memory_space<vmem>>, vector<16xi32>,
      tpu.vector_store %arg14[%swap3A_383], %get3A_382 {strides = array<i32>} : memref<64xi32, #tpu.memory_space<vmem>>, vector<16xi32>,
      %mul3A_385 = arith.constant 64 : i32
      %mul3A_386 = arith.muli %add3A_370, %mul3A_385 : i32
      %add3A_387 = arith.constant 16 : i32
      %add3A_388 = arith.addi %mul3A_386, %add3A_387 : i32
      %get3A_389 = arith.index_cast %add3A_388 : i32 to index
      %get3A_390 = tpu.vector_load %arg9[%get3A_389] {strides = array<i32>} : memref<20736xi32, #tpu.memory_space<vmem>>, vector<16xi32>,
      %swap3A_391 = arith.constant 16 : index
      %swap3A_392 = tpu.vector_load %arg14[%swap3A_391] {strides = array<i32>} : memref<64xi32, #tpu.memory_space<vmem>>, vector<16xi32>,
      tpu.vector_store %arg14[%swap3A_391], %get3A_390 {strides = array<i32>} : memref<64xi32, #tpu.memory_space<vmem>>, vector<16xi32>,
      %mul3A_393 = arith.constant 64 : i32
      %mul3A_394 = arith.muli %add3A_370, %mul3A_393 : i32
      %add3A_395 = arith.constant 32 : i32
      %add3A_396 = arith.addi %mul3A_394, %add3A_395 : i32
      %get3A_397 = arith.index_cast %add3A_396 : i32 to index
      %get3A_398 = tpu.vector_load %arg9[%get3A_397] {strides = array<i32>} : memref<20736xi32, #tpu.memory_space<vmem>>, vector<16xi32>,
      %swap3A_399 = arith.constant 32 : index
      %swap3A_400 = tpu.vector_load %arg14[%swap3A_399] {strides = array<i32>} : memref<64xi32, #tpu.memory_space<vmem>>, vector<16xi32>,
      tpu.vector_store %arg14[%swap3A_399], %get3A_398 {strides = array<i32>} : memref<64xi32, #tpu.memory_space<vmem>>, vector<16xi32>,
      %mul3A_401 = arith.constant 64 : i32
      %mul3A_402 = arith.muli %add3A_370, %mul3A_401 : i32
      %add3A_403 = arith.constant 48 : i32
      %add3A_404 = arith.addi %mul3A_402, %add3A_403 : i32
      %get3A_405 = arith.index_cast %add3A_404 : i32 to index
      %get3A_406 = tpu.vector_load %arg9[%get3A_405] {strides = array<i32>} : memref<20736xi32, #tpu.memory_space<vmem>>, vector<16xi32>,
      %swap3A_407 = arith.constant 48 : index
      %swap3A_408 = tpu.vector_load %arg14[%swap3A_407] {strides = array<i32>} : memref<64xi32, #tpu.memory_space<vmem>>, vector<16xi32>,
      tpu.vector_store %arg14[%swap3A_407], %get3A_406 {strides = array<i32>} : memref<64xi32, #tpu.memory_space<vmem>>, vector<16xi32>,
      "tpu.region"() ({
        %run_scoped3A = tpu.sem_alloc : memref<!tpu.dma_semaphore, #tpu.memory_space<semaphore_mem>>
        %dma_start3A = arith.constant 0 : i32
        %dma_start3A_466 = arith.constant 0 : i32
        %dma_start3A_467 = tpu.memref_slice %arg15[%dma_start3A, %dma_start3A_466] : memref<5376x128xf32, #tpu.memory_space<vmem_shared>> -> memref<5376x128xf32, #tpu.memory_space<vmem_shared>>
        tpu.enqueue_indirect_dma source(%arg12 : memref<64x128xf32, #tpu.memory_space<vmem>>) target(%dma_start3A_467 : memref<5376x128xf32, #tpu.memory_space<vmem_shared>>) offsets(%arg14 : memref<64xi32, #tpu.memory_space<vmem>>) semaphore(%run_scoped3A : memref<!tpu.dma_semaphore, #tpu.memory_space<semaphore_mem>>) {add = true}
        %dma_wait3A_468 = arith.constant 0 : i32
        %dma_wait3A_469 = arith.constant 0 : i32
        %dma_wait3A_470 = tpu.memref_slice %arg15[%dma_wait3A_468, %dma_wait3A_469] : memref<5376x128xf32, #tpu.memory_space<vmem_shared>> -> memref<5376x128xf32, #tpu.memory_space<vmem_shared>>
        tpu.wait_indirect_dma semaphore(%run_scoped3A : memref<!tpu.dma_semaphore, #tpu.memory_space<semaphore_mem>>) src(%arg12 : memref<64x128xf32, #tpu.memory_space<vmem>>) dst(%dma_wait3A_470 : memref<5376x128xf32, #tpu.memory_space<vmem_shared>>)
        tpu.yield
      }) : () -> ()
      %add3A_409 = arith.constant 4 : i32
      %add3A_410 = arith.addi %add3A_370, %add3A_409 : i32
      %mul3A_411 = arith.constant 4 : i32
      %mul3A_412 = arith.muli %mul3A_411, %select_n3A : i32
      %lt3A_413 = arith.cmpi slt, %add3A_410, %mul3A_412 : i32
      %convert_element_type3A_414 = arith.extui %lt3A_413 : i1 to i32
      %cond3A_415 = arith.constant 0 : i32
      %cond3A_416 = arith.cmpi ne, %convert_element_type3A_414, %cond3A_415 : i32
      scf.if %cond3A_416 {
        %add3A_466 = arith.constant 4 : i32
        %add3A_467 = arith.addi %add3A_370, %add3A_466 : i32
        %mul3A_468 = arith.constant 64 : i32
        %mul3A_469 = arith.muli %add3A_467, %mul3A_468 : i32
        %dma_start3A = tpu.memref_slice %arg8[%mul3A_469] : memref<20736xi32, #tpu.memory_space<vmem>> -> memref<64xi32, #tpu.memory_space<vmem>>
        %dma_start3A_470 = arith.constant 0 : i32
        %dma_start3A_471 = arith.constant 0 : i32
        %dma_start3A_472 = tpu.memref_slice %arg2[%dma_start3A_470, %dma_start3A_471] : memref<10000x128xf32, #tpu.memory_space<hbm>> -> memref<10000x128xf32, #tpu.memory_space<hbm>>
        tpu.enqueue_indirect_dma source(%dma_start3A_472 : memref<10000x128xf32, #tpu.memory_space<hbm>>) target(%arg12 : memref<64x128xf32, #tpu.memory_space<vmem>>) offsets(%dma_start3A : memref<64xi32, #tpu.memory_space<vmem>>) semaphore(%arg18 : memref<!tpu.dma_semaphore, #tpu.memory_space<semaphore_mem>>)
      } else {
      }
      %add3A_417 = arith.constant 3 : i32
      %add3A_418 = arith.addi %mul3A_275, %add3A_417 : i32
      %mul3A_419 = arith.constant 64 : i32
      %mul3A_420 = arith.muli %add3A_418, %mul3A_419 : i32
      %dma_wait3A_421 = tpu.memref_slice %arg8[%mul3A_420] : memref<20736xi32, #tpu.memory_space<vmem>> -> memref<64xi32, #tpu.memory_space<vmem>>
      %dma_wait3A_422 = arith.constant 0 : i32
      %dma_wait3A_423 = arith.constant 0 : i32
      %dma_wait3A_424 = tpu.memref_slice %arg2[%dma_wait3A_422, %dma_wait3A_423] : memref<10000x128xf32, #tpu.memory_space<hbm>> -> memref<10000x128xf32, #tpu.memory_space<hbm>>
      tpu.wait_indirect_dma semaphore(%arg19 : memref<!tpu.dma_semaphore, #tpu.memory_space<semaphore_mem>>) src(%dma_wait3A_424 : memref<10000x128xf32, #tpu.memory_space<hbm>>) dst(%arg13 : memref<64x128xf32, #tpu.memory_space<vmem>>)
      %mul3A_425 = arith.constant 64 : i32
      %mul3A_426 = arith.muli %add3A_418, %mul3A_425 : i32
      %add3A_427 = arith.constant 0 : i32
      %add3A_428 = arith.addi %mul3A_426, %add3A_427 : i32
      %get3A_429 = arith.index_cast %add3A_428 : i32 to index
      %get3A_430 = tpu.vector_load %arg9[%get3A_429] {strides = array<i32>} : memref<20736xi32, #tpu.memory_space<vmem>>, vector<16xi32>,
      %swap3A_431 = arith.constant 0 : index
      %swap3A_432 = tpu.vector_load %arg14[%swap3A_431] {strides = array<i32>} : memref<64xi32, #tpu.memory_space<vmem>>, vector<16xi32>,
      tpu.vector_store %arg14[%swap3A_431], %get3A_430 {strides = array<i32>} : memref<64xi32, #tpu.memory_space<vmem>>, vector<16xi32>,
      %mul3A_433 = arith.constant 64 : i32
      %mul3A_434 = arith.muli %add3A_418, %mul3A_433 : i32
      %add3A_435 = arith.constant 16 : i32
      %add3A_436 = arith.addi %mul3A_434, %add3A_435 : i32
      %get3A_437 = arith.index_cast %add3A_436 : i32 to index
      %get3A_438 = tpu.vector_load %arg9[%get3A_437] {strides = array<i32>} : memref<20736xi32, #tpu.memory_space<vmem>>, vector<16xi32>,
      %swap3A_439 = arith.constant 16 : index
      %swap3A_440 = tpu.vector_load %arg14[%swap3A_439] {strides = array<i32>} : memref<64xi32, #tpu.memory_space<vmem>>, vector<16xi32>,
      tpu.vector_store %arg14[%swap3A_439], %get3A_438 {strides = array<i32>} : memref<64xi32, #tpu.memory_space<vmem>>, vector<16xi32>,
      %mul3A_441 = arith.constant 64 : i32
      %mul3A_442 = arith.muli %add3A_418, %mul3A_441 : i32
      %add3A_443 = arith.constant 32 : i32
      %add3A_444 = arith.addi %mul3A_442, %add3A_443 : i32
      %get3A_445 = arith.index_cast %add3A_444 : i32 to index
      %get3A_446 = tpu.vector_load %arg9[%get3A_445] {strides = array<i32>} : memref<20736xi32, #tpu.memory_space<vmem>>, vector<16xi32>,
      %swap3A_447 = arith.constant 32 : index
      %swap3A_448 = tpu.vector_load %arg14[%swap3A_447] {strides = array<i32>} : memref<64xi32, #tpu.memory_space<vmem>>, vector<16xi32>,
      tpu.vector_store %arg14[%swap3A_447], %get3A_446 {strides = array<i32>} : memref<64xi32, #tpu.memory_space<vmem>>, vector<16xi32>,
      %mul3A_449 = arith.constant 64 : i32
      %mul3A_450 = arith.muli %add3A_418, %mul3A_449 : i32
      %add3A_451 = arith.constant 48 : i32
      %add3A_452 = arith.addi %mul3A_450, %add3A_451 : i32
      %get3A_453 = arith.index_cast %add3A_452 : i32 to index
      %get3A_454 = tpu.vector_load %arg9[%get3A_453] {strides = array<i32>} : memref<20736xi32, #tpu.memory_space<vmem>>, vector<16xi32>,
      %swap3A_455 = arith.constant 48 : index
      %swap3A_456 = tpu.vector_load %arg14[%swap3A_455] {strides = array<i32>} : memref<64xi32, #tpu.memory_space<vmem>>, vector<16xi32>,
      tpu.vector_store %arg14[%swap3A_455], %get3A_454 {strides = array<i32>} : memref<64xi32, #tpu.memory_space<vmem>>, vector<16xi32>,
      "tpu.region"() ({
        %run_scoped3A = tpu.sem_alloc : memref<!tpu.dma_semaphore, #tpu.memory_space<semaphore_mem>>
        %dma_start3A = arith.constant 0 : i32
        %dma_start3A_466 = arith.constant 0 : i32
        %dma_start3A_467 = tpu.memref_slice %arg15[%dma_start3A, %dma_start3A_466] : memref<5376x128xf32, #tpu.memory_space<vmem_shared>> -> memref<5376x128xf32, #tpu.memory_space<vmem_shared>>
        tpu.enqueue_indirect_dma source(%arg13 : memref<64x128xf32, #tpu.memory_space<vmem>>) target(%dma_start3A_467 : memref<5376x128xf32, #tpu.memory_space<vmem_shared>>) offsets(%arg14 : memref<64xi32, #tpu.memory_space<vmem>>) semaphore(%run_scoped3A : memref<!tpu.dma_semaphore, #tpu.memory_space<semaphore_mem>>) {add = true}
        %dma_wait3A_468 = arith.constant 0 : i32
        %dma_wait3A_469 = arith.constant 0 : i32
        %dma_wait3A_470 = tpu.memref_slice %arg15[%dma_wait3A_468, %dma_wait3A_469] : memref<5376x128xf32, #tpu.memory_space<vmem_shared>> -> memref<5376x128xf32, #tpu.memory_space<vmem_shared>>
        tpu.wait_indirect_dma semaphore(%run_scoped3A : memref<!tpu.dma_semaphore, #tpu.memory_space<semaphore_mem>>) src(%arg13 : memref<64x128xf32, #tpu.memory_space<vmem>>) dst(%dma_wait3A_470 : memref<5376x128xf32, #tpu.memory_space<vmem_shared>>)
        tpu.yield
      }) : () -> ()
      %add3A_457 = arith.constant 4 : i32
      %add3A_458 = arith.addi %add3A_418, %add3A_457 : i32
      %mul3A_459 = arith.constant 4 : i32
      %mul3A_460 = arith.muli %mul3A_459, %select_n3A : i32
      %lt3A_461 = arith.cmpi slt, %add3A_458, %mul3A_460 : i32
      %convert_element_type3A_462 = arith.extui %lt3A_461 : i1 to i32
      %cond3A_463 = arith.constant 0 : i32
      %cond3A_464 = arith.cmpi ne, %convert_element_type3A_462, %cond3A_463 : i32
      scf.if %cond3A_464 {
        %add3A_466 = arith.constant 4 : i32
        %add3A_467 = arith.addi %add3A_418, %add3A_466 : i32
        %mul3A_468 = arith.constant 64 : i32
        %mul3A_469 = arith.muli %add3A_467, %mul3A_468 : i32
        %dma_start3A = tpu.memref_slice %arg8[%mul3A_469] : memref<20736xi32, #tpu.memory_space<vmem>> -> memref<64xi32, #tpu.memory_space<vmem>>
        %dma_start3A_470 = arith.constant 0 : i32
        %dma_start3A_471 = arith.constant 0 : i32
        %dma_start3A_472 = tpu.memref_slice %arg2[%dma_start3A_470, %dma_start3A_471] : memref<10000x128xf32, #tpu.memory_space<hbm>> -> memref<10000x128xf32, #tpu.memory_space<hbm>>
        tpu.enqueue_indirect_dma source(%dma_start3A_472 : memref<10000x128xf32, #tpu.memory_space<hbm>>) target(%arg13 : memref<64x128xf32, #tpu.memory_space<vmem>>) offsets(%dma_start3A : memref<64xi32, #tpu.memory_space<vmem>>) semaphore(%arg19 : memref<!tpu.dma_semaphore, #tpu.memory_space<semaphore_mem>>)
      } else {
      }
      %while3A_465 = arith.constant 0 : i32
      scf.yield %while3A_465 : i32
    }
    %while3A_262 = arith.constant 1 : i32
    %while3A_263 = scf.for %while3A_272 = %while3A_259 to %while3A_255 step %while3A_262 iter_args(%while3A_273 = %while3A_261) -> (i32)  : i32 {
      %mul3A_274 = arith.constant 4 : i32
      %mul3A_275 = arith.muli %mul3A_274, %while3A_272 : i32
      %add3A_276 = arith.constant 0 : i32
      %add3A_277 = arith.addi %mul3A_275, %add3A_276 : i32
      %mul3A_278 = arith.constant 64 : i32
      %mul3A_279 = arith.muli %add3A_277, %mul3A_278 : i32
      %dma_wait3A = tpu.memref_slice %arg8[%mul3A_279] : memref<20736xi32, #tpu.memory_space<vmem>> -> memref<64xi32, #tpu.memory_space<vmem>>
      %dma_wait3A_280 = arith.constant 0 : i32
      %dma_wait3A_281 = arith.constant 0 : i32
      %dma_wait3A_282 = tpu.memref_slice %arg2[%dma_wait3A_280, %dma_wait3A_281] : memref<10000x128xf32, #tpu.memory_space<hbm>> -> memref<10000x128xf32, #tpu.memory_space<hbm>>
      tpu.wait_indirect_dma semaphore(%arg16 : memref<!tpu.dma_semaphore, #tpu.memory_space<semaphore_mem>>) src(%dma_wait3A_282 : memref<10000x128xf32, #tpu.memory_space<hbm>>) dst(%arg10 : memref<64x128xf32, #tpu.memory_space<vmem>>)
      %mul3A_283 = arith.constant 64 : i32
      %mul3A_284 = arith.muli %add3A_277, %mul3A_283 : i32
      %add3A_285 = arith.constant 0 : i32
      %add3A_286 = arith.addi %mul3A_284, %add3A_285 : i32
      %get3A = arith.index_cast %add3A_286 : i32 to index
      %get3A_287 = tpu.vector_load %arg9[%get3A] {strides = array<i32>} : memref<20736xi32, #tpu.memory_space<vmem>>, vector<16xi32>,
      %swap3A_288 = arith.constant 0 : index
      %swap3A_289 = tpu.vector_load %arg14[%swap3A_288] {strides = array<i32>} : memref<64xi32, #tpu.memory_space<vmem>>, vector<16xi32>,
      tpu.vector_store %arg14[%swap3A_288], %get3A_287 {strides = array<i32>} : memref<64xi32, #tpu.memory_space<vmem>>, vector<16xi32>,
      %mul3A_290 = arith.constant 64 : i32
      %mul3A_291 = arith.muli %add3A_277, %mul3A_290 : i32
      %add3A_292 = arith.constant 16 : i32
      %add3A_293 = arith.addi %mul3A_291, %add3A_292 : i32
      %get3A_294 = arith.index_cast %add3A_293 : i32 to index
      %get3A_295 = tpu.vector_load %arg9[%get3A_294] {strides = array<i32>} : memref<20736xi32, #tpu.memory_space<vmem>>, vector<16xi32>,
      %swap3A_296 = arith.constant 16 : index
      %swap3A_297 = tpu.vector_load %arg14[%swap3A_296] {strides = array<i32>} : memref<64xi32, #tpu.memory_space<vmem>>, vector<16xi32>,
      tpu.vector_store %arg14[%swap3A_296], %get3A_295 {strides = array<i32>} : memref<64xi32, #tpu.memory_space<vmem>>, vector<16xi32>,
      %mul3A_298 = arith.constant 64 : i32
      %mul3A_299 = arith.muli %add3A_277, %mul3A_298 : i32
      %add3A_300 = arith.constant 32 : i32
      %add3A_301 = arith.addi %mul3A_299, %add3A_300 : i32
      %get3A_302 = arith.index_cast %add3A_301 : i32 to index
      %get3A_303 = tpu.vector_load %arg9[%get3A_302] {strides = array<i32>} : memref<20736xi32, #tpu.memory_space<vmem>>, vector<16xi32>,
      %swap3A_304 = arith.constant 32 : index
      %swap3A_305 = tpu.vector_load %arg14[%swap3A_304] {strides = array<i32>} : memref<64xi32, #tpu.memory_space<vmem>>, vector<16xi32>,
      tpu.vector_store %arg14[%swap3A_304], %get3A_303 {strides = array<i32>} : memref<64xi32, #tpu.memory_space<vmem>>, vector<16xi32>,
      %mul3A_306 = arith.constant 64 : i32
      %mul3A_307 = arith.muli %add3A_277, %mul3A_306 : i32
      %add3A_308 = arith.constant 48 : i32
      %add3A_309 = arith.addi %mul3A_307, %add3A_308 : i32
      %get3A_310 = arith.index_cast %add3A_309 : i32 to index
      %get3A_311 = tpu.vector_load %arg9[%get3A_310] {strides = array<i32>} : memref<20736xi32, #tpu.memory_space<vmem>>, vector<16xi32>,
      %swap3A_312 = arith.constant 48 : index
      %swap3A_313 = tpu.vector_load %arg14[%swap3A_312] {strides = array<i32>} : memref<64xi32, #tpu.memory_space<vmem>>, vector<16xi32>,
      tpu.vector_store %arg14[%swap3A_312], %get3A_311 {strides = array<i32>} : memref<64xi32, #tpu.memory_space<vmem>>, vector<16xi32>,
      "tpu.region"() ({
        %run_scoped3A = tpu.sem_alloc : memref<!tpu.dma_semaphore, #tpu.memory_space<semaphore_mem>>
        %dma_start3A = arith.constant 0 : i32
        %dma_start3A_466 = arith.constant 0 : i32
        %dma_start3A_467 = tpu.memref_slice %arg15[%dma_start3A, %dma_start3A_466] : memref<5376x128xf32, #tpu.memory_space<vmem_shared>> -> memref<5376x128xf32, #tpu.memory_space<vmem_shared>>
        tpu.enqueue_indirect_dma source(%arg10 : memref<64x128xf32, #tpu.memory_space<vmem>>) target(%dma_start3A_467 : memref<5376x128xf32, #tpu.memory_space<vmem_shared>>) offsets(%arg14 : memref<64xi32, #tpu.memory_space<vmem>>) semaphore(%run_scoped3A : memref<!tpu.dma_semaphore, #tpu.memory_space<semaphore_mem>>) {add = true}
        %dma_wait3A_468 = arith.constant 0 : i32
        %dma_wait3A_469 = arith.constant 0 : i32
        %dma_wait3A_470 = tpu.memref_slice %arg15[%dma_wait3A_468, %dma_wait3A_469] : memref<5376x128xf32, #tpu.memory_space<vmem_shared>> -> memref<5376x128xf32, #tpu.memory_space<vmem_shared>>
        tpu.wait_indirect_dma semaphore(%run_scoped3A : memref<!tpu.dma_semaphore, #tpu.memory_space<semaphore_mem>>) src(%arg10 : memref<64x128xf32, #tpu.memory_space<vmem>>) dst(%dma_wait3A_470 : memref<5376x128xf32, #tpu.memory_space<vmem_shared>>)
        tpu.yield
      }) : () -> ()
      %add3A_314 = arith.constant 4 : i32
      %add3A_315 = arith.addi %add3A_277, %add3A_314 : i32
      %mul3A_316 = arith.constant 4 : i32
      %mul3A_317 = arith.muli %mul3A_316, %select_n3A : i32
      %lt3A = arith.cmpi slt, %add3A_315, %mul3A_317 : i32
      %convert_element_type3A_318 = arith.extui %lt3A : i1 to i32
      %cond3A_319 = arith.constant 0 : i32
      %cond3A_320 = arith.cmpi ne, %convert_element_type3A_318, %cond3A_319 : i32
      scf.if %cond3A_320 {
        %add3A_466 = arith.constant 4 : i32
        %add3A_467 = arith.addi %add3A_277, %add3A_466 : i32
        %mul3A_468 = arith.constant 64 : i32
        %mul3A_469 = arith.muli %add3A_467, %mul3A_468 : i32
        %dma_start3A = tpu.memref_slice %arg8[%mul3A_469] : memref<20736xi32, #tpu.memory_space<vmem>> -> memref<64xi32, #tpu.memory_space<vmem>>
        %dma_start3A_470 = arith.constant 0 : i32
        %dma_start3A_471 = arith.constant 0 : i32
        %dma_start3A_472 = tpu.memref_slice %arg2[%dma_start3A_470, %dma_start3A_471] : memref<10000x128xf32, #tpu.memory_space<hbm>> -> memref<10000x128xf32, #tpu.memory_space<hbm>>
        tpu.enqueue_indirect_dma source(%dma_start3A_472 : memref<10000x128xf32, #tpu.memory_space<hbm>>) target(%arg10 : memref<64x128xf32, #tpu.memory_space<vmem>>) offsets(%dma_start3A : memref<64xi32, #tpu.memory_space<vmem>>) semaphore(%arg16 : memref<!tpu.dma_semaphore, #tpu.memory_space<semaphore_mem>>)
      } else {
      }
      %add3A_321 = arith.constant 1 : i32
      %add3A_322 = arith.addi %mul3A_275, %add3A_321 : i32
      %mul3A_323 = arith.constant 64 : i32
      %mul3A_324 = arith.muli %add3A_322, %mul3A_323 : i32
      %dma_wait3A_325 = tpu.memref_slice %arg8[%mul3A_324] : memref<20736xi32, #tpu.memory_space<vmem>> -> memref<64xi32, #tpu.memory_space<vmem>>
      %dma_wait3A_326 = arith.constant 0 : i32
      %dma_wait3A_327 = arith.constant 0 : i32
      %dma_wait3A_328 = tpu.memref_slice %arg2[%dma_wait3A_326, %dma_wait3A_327] : memref<10000x128xf32, #tpu.memory_space<hbm>> -> memref<10000x128xf32, #tpu.memory_space<hbm>>
      tpu.wait_indirect_dma semaphore(%arg17 : memref<!tpu.dma_semaphore, #tpu.memory_space<semaphore_mem>>) src(%dma_wait3A_328 : memref<10000x128xf32, #tpu.memory_space<hbm>>) dst(%arg11 : memref<64x128xf32, #tpu.memory_space<vmem>>)
      %mul3A_329 = arith.constant 64 : i32
      %mul3A_330 = arith.muli %add3A_322, %mul3A_329 : i32
      %add3A_331 = arith.constant 0 : i32
      %add3A_332 = arith.addi %mul3A_330, %add3A_331 : i32
      %get3A_333 = arith.index_cast %add3A_332 : i32 to index
      %get3A_334 = tpu.vector_load %arg9[%get3A_333] {strides = array<i32>} : memref<20736xi32, #tpu.memory_space<vmem>>, vector<16xi32>,
      %swap3A_335 = arith.constant 0 : index
      %swap3A_336 = tpu.vector_load %arg14[%swap3A_335] {strides = array<i32>} : memref<64xi32, #tpu.memory_space<vmem>>, vector<16xi32>,
      tpu.vector_store %arg14[%swap3A_335], %get3A_334 {strides = array<i32>} : memref<64xi32, #tpu.memory_space<vmem>>, vector<16xi32>,
      %mul3A_337 = arith.constant 64 : i32
      %mul3A_338 = arith.muli %add3A_322, %mul3A_337 : i32
      %add3A_339 = arith.constant 16 : i32
      %add3A_340 = arith.addi %mul3A_338, %add3A_339 : i32
      %get3A_341 = arith.index_cast %add3A_340 : i32 to index
      %get3A_342 = tpu.vector_load %arg9[%get3A_341] {strides = array<i32>} : memref<20736xi32, #tpu.memory_space<vmem>>, vector<16xi32>,
      %swap3A_343 = arith.constant 16 : index
      %swap3A_344 = tpu.vector_load %arg14[%swap3A_343] {strides = array<i32>} : memref<64xi32, #tpu.memory_space<vmem>>, vector<16xi32>,
      tpu.vector_store %arg14[%swap3A_343], %get3A_342 {strides = array<i32>} : memref<64xi32, #tpu.memory_space<vmem>>, vector<16xi32>,
      %mul3A_345 = arith.constant 64 : i32
      %mul3A_346 = arith.muli %add3A_322, %mul3A_345 : i32
      %add3A_347 = arith.constant 32 : i32
      %add3A_348 = arith.addi %mul3A_346, %add3A_347 : i32
      %get3A_349 = arith.index_cast %add3A_348 : i32 to index
      %get3A_350 = tpu.vector_load %arg9[%get3A_349] {strides = array<i32>} : memref<20736xi32, #tpu.memory_space<vmem>>, vector<16xi32>,
      %swap3A_351 = arith.constant 32 : index
      %swap3A_352 = tpu.vector_load %arg14[%swap3A_351] {strides = array<i32>} : memref<64xi32, #tpu.memory_space<vmem>>, vector<16xi32>,
      tpu.vector_store %arg14[%swap3A_351], %get3A_350 {strides = array<i32>} : memref<64xi32, #tpu.memory_space<vmem>>, vector<16xi32>,
      %mul3A_353 = arith.constant 64 : i32
      %mul3A_354 = arith.muli %add3A_322, %mul3A_353 : i32
      %add3A_355 = arith.constant 48 : i32
      %add3A_356 = arith.addi %mul3A_354, %add3A_355 : i32
      %get3A_357 = arith.index_cast %add3A_356 : i32 to index
      %get3A_358 = tpu.vector_load %arg9[%get3A_357] {strides = array<i32>} : memref<20736xi32, #tpu.memory_space<vmem>>, vector<16xi32>,
      %swap3A_359 = arith.constant 48 : index
      %swap3A_360 = tpu.vector_load %arg14[%swap3A_359] {strides = array<i32>} : memref<64xi32, #tpu.memory_space<vmem>>, vector<16xi32>,
      tpu.vector_store %arg14[%swap3A_359], %get3A_358 {strides = array<i32>} : memref<64xi32, #tpu.memory_space<vmem>>, vector<16xi32>,
      "tpu.region"() ({
        %run_scoped3A = tpu.sem_alloc : memref<!tpu.dma_semaphore, #tpu.memory_space<semaphore_mem>>
        %dma_start3A = arith.constant 0 : i32
        %dma_start3A_466 = arith.constant 0 : i32
        %dma_start3A_467 = tpu.memref_slice %arg15[%dma_start3A, %dma_start3A_466] : memref<5376x128xf32, #tpu.memory_space<vmem_shared>> -> memref<5376x128xf32, #tpu.memory_space<vmem_shared>>
        tpu.enqueue_indirect_dma source(%arg11 : memref<64x128xf32, #tpu.memory_space<vmem>>) target(%dma_start3A_467 : memref<5376x128xf32, #tpu.memory_space<vmem_shared>>) offsets(%arg14 : memref<64xi32, #tpu.memory_space<vmem>>) semaphore(%run_scoped3A : memref<!tpu.dma_semaphore, #tpu.memory_space<semaphore_mem>>) {add = true}
        %dma_wait3A_468 = arith.constant 0 : i32
        %dma_wait3A_469 = arith.constant 0 : i32
        %dma_wait3A_470 = tpu.memref_slice %arg15[%dma_wait3A_468, %dma_wait3A_469] : memref<5376x128xf32, #tpu.memory_space<vmem_shared>> -> memref<5376x128xf32, #tpu.memory_space<vmem_shared>>
        tpu.wait_indirect_dma semaphore(%run_scoped3A : memref<!tpu.dma_semaphore, #tpu.memory_space<semaphore_mem>>) src(%arg11 : memref<64x128xf32, #tpu.memory_space<vmem>>) dst(%dma_wait3A_470 : memref<5376x128xf32, #tpu.memory_space<vmem_shared>>)
        tpu.yield
      }) : () -> ()
      %add3A_361 = arith.constant 4 : i32
      %add3A_362 = arith.addi %add3A_322, %add3A_361 : i32
      %mul3A_363 = arith.constant 4 : i32
      %mul3A_364 = arith.muli %mul3A_363, %select_n3A : i32
      %lt3A_365 = arith.cmpi slt, %add3A_362, %mul3A_364 : i32
      %convert_element_type3A_366 = arith.extui %lt3A_365 : i1 to i32
      %cond3A_367 = arith.constant 0 : i32
      %cond3A_368 = arith.cmpi ne, %convert_element_type3A_366, %cond3A_367 : i32
      scf.if %cond3A_368 {
        %add3A_466 = arith.constant 4 : i32
        %add3A_467 = arith.addi %add3A_322, %add3A_466 : i32
        %mul3A_468 = arith.constant 64 : i32
        %mul3A_469 = arith.muli %add3A_467, %mul3A_468 : i32
        %dma_start3A = tpu.memref_slice %arg8[%mul3A_469] : memref<20736xi32, #tpu.memory_space<vmem>> -> memref<64xi32, #tpu.memory_space<vmem>>
        %dma_start3A_470 = arith.constant 0 : i32
        %dma_start3A_471 = arith.constant 0 : i32
        %dma_start3A_472 = tpu.memref_slice %arg2[%dma_start3A_470, %dma_start3A_471] : memref<10000x128xf32, #tpu.memory_space<hbm>> -> memref<10000x128xf32, #tpu.memory_space<hbm>>
        tpu.enqueue_indirect_dma source(%dma_start3A_472 : memref<10000x128xf32, #tpu.memory_space<hbm>>) target(%arg11 : memref<64x128xf32, #tpu.memory_space<vmem>>) offsets(%dma_start3A : memref<64xi32, #tpu.memory_space<vmem>>) semaphore(%arg17 : memref<!tpu.dma_semaphore, #tpu.memory_space<semaphore_mem>>)
      } else {
      }
      %add3A_369 = arith.constant 2 : i32
      %add3A_370 = arith.addi %mul3A_275, %add3A_369 : i32
      %mul3A_371 = arith.constant 64 : i32
      %mul3A_372 = arith.muli %add3A_370, %mul3A_371 : i32
      %dma_wait3A_373 = tpu.memref_slice %arg8[%mul3A_372] : memref<20736xi32, #tpu.memory_space<vmem>> -> memref<64xi32, #tpu.memory_space<vmem>>
      %dma_wait3A_374 = arith.constant 0 : i32
      %dma_wait3A_375 = arith.constant 0 : i32
      %dma_wait3A_376 = tpu.memref_slice %arg2[%dma_wait3A_374, %dma_wait3A_375] : memref<10000x128xf32, #tpu.memory_space<hbm>> -> memref<10000x128xf32, #tpu.memory_space<hbm>>
      tpu.wait_indirect_dma semaphore(%arg18 : memref<!tpu.dma_semaphore, #tpu.memory_space<semaphore_mem>>) src(%dma_wait3A_376 : memref<10000x128xf32, #tpu.memory_space<hbm>>) dst(%arg12 : memref<64x128xf32, #tpu.memory_space<vmem>>)
      %mul3A_377 = arith.constant 64 : i32
      %mul3A_378 = arith.muli %add3A_370, %mul3A_377 : i32
      %add3A_379 = arith.constant 0 : i32
      %add3A_380 = arith.addi %mul3A_378, %add3A_379 : i32
      %get3A_381 = arith.index_cast %add3A_380 : i32 to index
      %get3A_382 = tpu.vector_load %arg9[%get3A_381] {strides = array<i32>} : memref<20736xi32, #tpu.memory_space<vmem>>, vector<16xi32>,
      %swap3A_383 = arith.constant 0 : index
      %swap3A_384 = tpu.vector_load %arg14[%swap3A_383] {strides = array<i32>} : memref<64xi32, #tpu.memory_space<vmem>>, vector<16xi32>,
      tpu.vector_store %arg14[%swap3A_383], %get3A_382 {strides = array<i32>} : memref<64xi32, #tpu.memory_space<vmem>>, vector<16xi32>,
      %mul3A_385 = arith.constant 64 : i32
      %mul3A_386 = arith.muli %add3A_370, %mul3A_385 : i32
      %add3A_387 = arith.constant 16 : i32
      %add3A_388 = arith.addi %mul3A_386, %add3A_387 : i32
      %get3A_389 = arith.index_cast %add3A_388 : i32 to index
      %get3A_390 = tpu.vector_load %arg9[%get3A_389] {strides = array<i32>} : memref<20736xi32, #tpu.memory_space<vmem>>, vector<16xi32>,
      %swap3A_391 = arith.constant 16 : index
      %swap3A_392 = tpu.vector_load %arg14[%swap3A_391] {strides = array<i32>} : memref<64xi32, #tpu.memory_space<vmem>>, vector<16xi32>,
      tpu.vector_store %arg14[%swap3A_391], %get3A_390 {strides = array<i32>} : memref<64xi32, #tpu.memory_space<vmem>>, vector<16xi32>,
      %mul3A_393 = arith.constant 64 : i32
      %mul3A_394 = arith.muli %add3A_370, %mul3A_393 : i32
      %add3A_395 = arith.constant 32 : i32
      %add3A_396 = arith.addi %mul3A_394, %add3A_395 : i32
      %get3A_397 = arith.index_cast %add3A_396 : i32 to index
      %get3A_398 = tpu.vector_load %arg9[%get3A_397] {strides = array<i32>} : memref<20736xi32, #tpu.memory_space<vmem>>, vector<16xi32>,
      %swap3A_399 = arith.constant 32 : index
      %swap3A_400 = tpu.vector_load %arg14[%swap3A_399] {strides = array<i32>} : memref<64xi32, #tpu.memory_space<vmem>>, vector<16xi32>,
      tpu.vector_store %arg14[%swap3A_399], %get3A_398 {strides = array<i32>} : memref<64xi32, #tpu.memory_space<vmem>>, vector<16xi32>,
      %mul3A_401 = arith.constant 64 : i32
      %mul3A_402 = arith.muli %add3A_370, %mul3A_401 : i32
      %add3A_403 = arith.constant 48 : i32
      %add3A_404 = arith.addi %mul3A_402, %add3A_403 : i32
      %get3A_405 = arith.index_cast %add3A_404 : i32 to index
      %get3A_406 = tpu.vector_load %arg9[%get3A_405] {strides = array<i32>} : memref<20736xi32, #tpu.memory_space<vmem>>, vector<16xi32>,
      %swap3A_407 = arith.constant 48 : index
      %swap3A_408 = tpu.vector_load %arg14[%swap3A_407] {strides = array<i32>} : memref<64xi32, #tpu.memory_space<vmem>>, vector<16xi32>,
      tpu.vector_store %arg14[%swap3A_407], %get3A_406 {strides = array<i32>} : memref<64xi32, #tpu.memory_space<vmem>>, vector<16xi32>,
      "tpu.region"() ({
        %run_scoped3A = tpu.sem_alloc : memref<!tpu.dma_semaphore, #tpu.memory_space<semaphore_mem>>
        %dma_start3A = arith.constant 0 : i32
        %dma_start3A_466 = arith.constant 0 : i32
        %dma_start3A_467 = tpu.memref_slice %arg15[%dma_start3A, %dma_start3A_466] : memref<5376x128xf32, #tpu.memory_space<vmem_shared>> -> memref<5376x128xf32, #tpu.memory_space<vmem_shared>>
        tpu.enqueue_indirect_dma source(%arg12 : memref<64x128xf32, #tpu.memory_space<vmem>>) target(%dma_start3A_467 : memref<5376x128xf32, #tpu.memory_space<vmem_shared>>) offsets(%arg14 : memref<64xi32, #tpu.memory_space<vmem>>) semaphore(%run_scoped3A : memref<!tpu.dma_semaphore, #tpu.memory_space<semaphore_mem>>) {add = true}
        %dma_wait3A_468 = arith.constant 0 : i32
        %dma_wait3A_469 = arith.constant 0 : i32
        %dma_wait3A_470 = tpu.memref_slice %arg15[%dma_wait3A_468, %dma_wait3A_469] : memref<5376x128xf32, #tpu.memory_space<vmem_shared>> -> memref<5376x128xf32, #tpu.memory_space<vmem_shared>>
        tpu.wait_indirect_dma semaphore(%run_scoped3A : memref<!tpu.dma_semaphore, #tpu.memory_space<semaphore_mem>>) src(%arg12 : memref<64x128xf32, #tpu.memory_space<vmem>>) dst(%dma_wait3A_470 : memref<5376x128xf32, #tpu.memory_space<vmem_shared>>)
        tpu.yield
      }) : () -> ()
      %add3A_409 = arith.constant 4 : i32
      %add3A_410 = arith.addi %add3A_370, %add3A_409 : i32
      %mul3A_411 = arith.constant 4 : i32
      %mul3A_412 = arith.muli %mul3A_411, %select_n3A : i32
      %lt3A_413 = arith.cmpi slt, %add3A_410, %mul3A_412 : i32
      %convert_element_type3A_414 = arith.extui %lt3A_413 : i1 to i32
      %cond3A_415 = arith.constant 0 : i32
      %cond3A_416 = arith.cmpi ne, %convert_element_type3A_414, %cond3A_415 : i32
      scf.if %cond3A_416 {
        %add3A_466 = arith.constant 4 : i32
        %add3A_467 = arith.addi %add3A_370, %add3A_466 : i32
        %mul3A_468 = arith.constant 64 : i32
        %mul3A_469 = arith.muli %add3A_467, %mul3A_468 : i32
        %dma_start3A = tpu.memref_slice %arg8[%mul3A_469] : memref<20736xi32, #tpu.memory_space<vmem>> -> memref<64xi32, #tpu.memory_space<vmem>>
        %dma_start3A_470 = arith.constant 0 : i32
        %dma_start3A_471 = arith.constant 0 : i32
        %dma_start3A_472 = tpu.memref_slice %arg2[%dma_start3A_470, %dma_start3A_471] : memref<10000x128xf32, #tpu.memory_space<hbm>> -> memref<10000x128xf32, #tpu.memory_space<hbm>>
        tpu.enqueue_indirect_dma source(%dma_start3A_472 : memref<10000x128xf32, #tpu.memory_space<hbm>>) target(%arg12 : memref<64x128xf32, #tpu.memory_space<vmem>>) offsets(%dma_start3A : memref<64xi32, #tpu.memory_space<vmem>>) semaphore(%arg18 : memref<!tpu.dma_semaphore, #tpu.memory_space<semaphore_mem>>)
      } else {
      }
      %add3A_417 = arith.constant 3 : i32
      %add3A_418 = arith.addi %mul3A_275, %add3A_417 : i32
      %mul3A_419 = arith.constant 64 : i32
      %mul3A_420 = arith.muli %add3A_418, %mul3A_419 : i32
      %dma_wait3A_421 = tpu.memref_slice %arg8[%mul3A_420] : memref<20736xi32, #tpu.memory_space<vmem>> -> memref<64xi32, #tpu.memory_space<vmem>>
      %dma_wait3A_422 = arith.constant 0 : i32
      %dma_wait3A_423 = arith.constant 0 : i32
      %dma_wait3A_424 = tpu.memref_slice %arg2[%dma_wait3A_422, %dma_wait3A_423] : memref<10000x128xf32, #tpu.memory_space<hbm>> -> memref<10000x128xf32, #tpu.memory_space<hbm>>
      tpu.wait_indirect_dma semaphore(%arg19 : memref<!tpu.dma_semaphore, #tpu.memory_space<semaphore_mem>>) src(%dma_wait3A_424 : memref<10000x128xf32, #tpu.memory_space<hbm>>) dst(%arg13 : memref<64x128xf32, #tpu.memory_space<vmem>>)
      %mul3A_425 = arith.constant 64 : i32
      %mul3A_426 = arith.muli %add3A_418, %mul3A_425 : i32
      %add3A_427 = arith.constant 0 : i32
      %add3A_428 = arith.addi %mul3A_426, %add3A_427 : i32
      %get3A_429 = arith.index_cast %add3A_428 : i32 to index
      %get3A_430 = tpu.vector_load %arg9[%get3A_429] {strides = array<i32>} : memref<20736xi32, #tpu.memory_space<vmem>>, vector<16xi32>,
      %swap3A_431 = arith.constant 0 : index
      %swap3A_432 = tpu.vector_load %arg14[%swap3A_431] {strides = array<i32>} : memref<64xi32, #tpu.memory_space<vmem>>, vector<16xi32>,
      tpu.vector_store %arg14[%swap3A_431], %get3A_430 {strides = array<i32>} : memref<64xi32, #tpu.memory_space<vmem>>, vector<16xi32>,
      %mul3A_433 = arith.constant 64 : i32
      %mul3A_434 = arith.muli %add3A_418, %mul3A_433 : i32
      %add3A_435 = arith.constant 16 : i32
      %add3A_436 = arith.addi %mul3A_434, %add3A_435 : i32
      %get3A_437 = arith.index_cast %add3A_436 : i32 to index
      %get3A_438 = tpu.vector_load %arg9[%get3A_437] {strides = array<i32>} : memref<20736xi32, #tpu.memory_space<vmem>>, vector<16xi32>,
      %swap3A_439 = arith.constant 16 : index
      %swap3A_440 = tpu.vector_load %arg14[%swap3A_439] {strides = array<i32>} : memref<64xi32, #tpu.memory_space<vmem>>, vector<16xi32>,
      tpu.vector_store %arg14[%swap3A_439], %get3A_438 {strides = array<i32>} : memref<64xi32, #tpu.memory_space<vmem>>, vector<16xi32>,
      %mul3A_441 = arith.constant 64 : i32
      %mul3A_442 = arith.muli %add3A_418, %mul3A_441 : i32
      %add3A_443 = arith.constant 32 : i32
      %add3A_444 = arith.addi %mul3A_442, %add3A_443 : i32
      %get3A_445 = arith.index_cast %add3A_444 : i32 to index
      %get3A_446 = tpu.vector_load %arg9[%get3A_445] {strides = array<i32>} : memref<20736xi32, #tpu.memory_space<vmem>>, vector<16xi32>,
      %swap3A_447 = arith.constant 32 : index
      %swap3A_448 = tpu.vector_load %arg14[%swap3A_447] {strides = array<i32>} : memref<64xi32, #tpu.memory_space<vmem>>, vector<16xi32>,
      tpu.vector_store %arg14[%swap3A_447], %get3A_446 {strides = array<i32>} : memref<64xi32, #tpu.memory_space<vmem>>, vector<16xi32>,
      %mul3A_449 = arith.constant 64 : i32
      %mul3A_450 = arith.muli %add3A_418, %mul3A_449 : i32
      %add3A_451 = arith.constant 48 : i32
      %add3A_452 = arith.addi %mul3A_450, %add3A_451 : i32
      %get3A_453 = arith.index_cast %add3A_452 : i32 to index
      %get3A_454 = tpu.vector_load %arg9[%get3A_453] {strides = array<i32>} : memref<20736xi32, #tpu.memory_space<vmem>>, vector<16xi32>,
      %swap3A_455 = arith.constant 48 : index
      %swap3A_456 = tpu.vector_load %arg14[%swap3A_455] {strides = array<i32>} : memref<64xi32, #tpu.memory_space<vmem>>, vector<16xi32>,
      tpu.vector_store %arg14[%swap3A_455], %get3A_454 {strides = array<i32>} : memref<64xi32, #tpu.memory_space<vmem>>, vector<16xi32>,
      "tpu.region"() ({
        %run_scoped3A = tpu.sem_alloc : memref<!tpu.dma_semaphore, #tpu.memory_space<semaphore_mem>>
        %dma_start3A = arith.constant 0 : i32
        %dma_start3A_466 = arith.constant 0 : i32
        %dma_start3A_467 = tpu.memref_slice %arg15[%dma_start3A, %dma_start3A_466] : memref<5376x128xf32, #tpu.memory_space<vmem_shared>> -> memref<5376x128xf32, #tpu.memory_space<vmem_shared>>
        tpu.enqueue_indirect_dma source(%arg13 : memref<64x128xf32, #tpu.memory_space<vmem>>) target(%dma_start3A_467 : memref<5376x128xf32, #tpu.memory_space<vmem_shared>>) offsets(%arg14 : memref<64xi32, #tpu.memory_space<vmem>>) semaphore(%run_scoped3A : memref<!tpu.dma_semaphore, #tpu.memory_space<semaphore_mem>>) {add = true}
        %dma_wait3A_468 = arith.constant 0 : i32
        %dma_wait3A_469 = arith.constant 0 : i32
        %dma_wait3A_470 = tpu.memref_slice %arg15[%dma_wait3A_468, %dma_wait3A_469] : memref<5376x128xf32, #tpu.memory_space<vmem_shared>> -> memref<5376x128xf32, #tpu.memory_space<vmem_shared>>
        tpu.wait_indirect_dma semaphore(%run_scoped3A : memref<!tpu.dma_semaphore, #tpu.memory_space<semaphore_mem>>) src(%arg13 : memref<64x128xf32, #tpu.memory_space<vmem>>) dst(%dma_wait3A_470 : memref<5376x128xf32, #tpu.memory_space<vmem_shared>>)
        tpu.yield
      }) : () -> ()
      %add3A_457 = arith.constant 4 : i32
      %add3A_458 = arith.addi %add3A_418, %add3A_457 : i32
      %mul3A_459 = arith.constant 4 : i32
      %mul3A_460 = arith.muli %mul3A_459, %select_n3A : i32
      %lt3A_461 = arith.cmpi slt, %add3A_458, %mul3A_460 : i32
      %convert_element_type3A_462 = arith.extui %lt3A_461 : i1 to i32
      %cond3A_463 = arith.constant 0 : i32
      %cond3A_464 = arith.cmpi ne, %convert_element_type3A_462, %cond3A_463 : i32
      scf.if %cond3A_464 {
        %add3A_466 = arith.constant 4 : i32
        %add3A_467 = arith.addi %add3A_418, %add3A_466 : i32
        %mul3A_468 = arith.constant 64 : i32
        %mul3A_469 = arith.muli %add3A_467, %mul3A_468 : i32
        %dma_start3A = tpu.memref_slice %arg8[%mul3A_469] : memref<20736xi32, #tpu.memory_space<vmem>> -> memref<64xi32, #tpu.memory_space<vmem>>
        %dma_start3A_470 = arith.constant 0 : i32
        %dma_start3A_471 = arith.constant 0 : i32
        %dma_start3A_472 = tpu.memref_slice %arg2[%dma_start3A_470, %dma_start3A_471] : memref<10000x128xf32, #tpu.memory_space<hbm>> -> memref<10000x128xf32, #tpu.memory_space<hbm>>
        tpu.enqueue_indirect_dma source(%dma_start3A_472 : memref<10000x128xf32, #tpu.memory_space<hbm>>) target(%arg13 : memref<64x128xf32, #tpu.memory_space<vmem>>) offsets(%dma_start3A : memref<64xi32, #tpu.memory_space<vmem>>) semaphore(%arg19 : memref<!tpu.dma_semaphore, #tpu.memory_space<semaphore_mem>>)
      } else {
      }
      %while3A_465 = arith.constant 0 : i32
      scf.yield %while3A_465 : i32
    }
    %barrier3A_264 = arith.constant 0 : index
    tpu.barrier barrier_id(%barrier3A_264)
    %mul3A_265 = arith.constant 320 : i32
    %mul3A_266 = arith.muli %arg1, %mul3A_265 : i32
    %mul3A_267 = arith.constant 5120 : i32
    %mul3A_268 = arith.muli %arg0, %mul3A_267 : i32
    %mul3A_269 = arith.constant 320 : i32
    %mul3A_270 = arith.muli %arg1, %mul3A_269 : i32
    %add3A_271 = arith.addi %mul3A_268, %mul3A_270 : i32
    "tpu.region"() ({
      %run_scoped3A = tpu.sem_alloc : memref<!tpu.dma_semaphore, #tpu.memory_space<semaphore_mem>>
      %dma_start3A = arith.constant 0 : i32
      %dma_start3A_272 = tpu.memref_slice %arg5[%add3A_271, %dma_start3A] : memref<10240x128xf32, #tpu.memory_space<hbm>> -> memref<320x128xf32, #tpu.memory_space<hbm>>
      %dma_start3A_273 = arith.constant 0 : i32
      %dma_start3A_274 = tpu.memref_slice %arg15[%mul3A_266, %dma_start3A_273] : memref<5376x128xf32, #tpu.memory_space<vmem_shared>> -> memref<320x128xf32, #tpu.memory_space<vmem_shared>>
      tpu.enqueue_dma source(%dma_start3A_274 : memref<320x128xf32, #tpu.memory_space<vmem_shared>>) target(%dma_start3A_272 : memref<320x128xf32, #tpu.memory_space<hbm>>) target_semaphore(%run_scoped3A : memref<!tpu.dma_semaphore, #tpu.memory_space<semaphore_mem>>)
      %dma_wait3A = arith.constant 0 : i32
      %dma_wait3A_275 = tpu.memref_slice %arg5[%add3A_271, %dma_wait3A] : memref<10240x128xf32, #tpu.memory_space<hbm>> -> memref<320x128xf32, #tpu.memory_space<hbm>>
      %dma_wait3A_276 = arith.constant 0 : i32
      %dma_wait3A_277 = tpu.memref_slice %arg15[%mul3A_266, %dma_wait3A_276] : memref<5376x128xf32, #tpu.memory_space<vmem_shared>> -> memref<320x128xf32, #tpu.memory_space<vmem_shared>>
      tpu.wait_dma2 semaphore(%run_scoped3A : memref<!tpu.dma_semaphore, #tpu.memory_space<semaphore_mem>>) src(%dma_wait3A_277 : memref<320x128xf32, #tpu.memory_space<vmem_shared>>) dst(%dma_wait3A_275 : memref<320x128xf32, #tpu.memory_space<hbm>>)
      tpu.yield
    }) : () -> ()
    return
  }
}

module attributes {stable_mosaic.version = 14 : i64} {
  func.func @_mlp_body(%arg0: memref<10000x128xf32, #tpu.memory_space<vmem>>, %arg1: memref<10240x128xf32, #tpu.memory_space<vmem>>, %arg2: memref<128x128xf32, #tpu.memory_space<vmem>>, %arg3: memref<1x128xf32, #tpu.memory_space<vmem>>, %arg4: memref<1x128xf32, #tpu.memory_space<vmem>>, %arg5: memref<1x128xf32, #tpu.memory_space<vmem>>, %arg6: memref<128x128xf32, #tpu.memory_space<vmem>>, %arg7: memref<1x128xf32, #tpu.memory_space<vmem>>, %arg8: memref<1x128xf32, #tpu.memory_space<vmem>>, %arg9: memref<1x128xf32, #tpu.memory_space<vmem>>, %arg10: memref<10000x128xf32, #tpu.memory_space<vmem>>) attributes {dimension_semantics = [], scalar_prefetch = 0 : i64, scratch_operands = 0 : i64, tpu.core_type = #tpu.core_type<tc>} {
    %get3A = arith.constant 0 : index
    %get3A_0 = arith.constant 0 : index
    %get3A_1 = vector.load %arg0[%get3A, %get3A_0] : memref<10000x128xf32, #tpu.memory_space<vmem>>, vector<10000x128xf32>
    %mul3A = arith.constant 1.290000e+02 : f32
    %mul3A_2 = vector.broadcast %mul3A : f32 to vector<10000x128xf32>
    %mul3A_3 = arith.mulf %get3A_1, %mul3A_2 : vector<10000x128xf32>
    %get3A_4 = arith.constant 0 : index
    %get3A_5 = arith.constant 0 : index
    %get3A_6 = vector.load %arg1[%get3A_4, %get3A_5] : memref<10240x128xf32, #tpu.memory_space<vmem>>, vector<10000x128xf32>
    %add3A = arith.addf %mul3A_3, %get3A_6 : vector<10000x128xf32>
    %get3A_7 = arith.constant 0 : index
    %get3A_8 = arith.constant 0 : index
    %get3A_9 = vector.load %arg2[%get3A_7, %get3A_8] : memref<128x128xf32, #tpu.memory_space<vmem>>, vector<128x128xf32>
    %dot_general3A = arith.constant dense<0.000000e+00> : vector<10000x128xf32>
    %dot_general3A_10 = tpu.matmul %add3A, %get3A_9, %dot_general3A {dimension_numbers = #tpu.dot_dimension_numbers<[1], [1], [0], [0], [0, 0, 1, 0], [], []>, transpose_lhs_hint = false} : vector<10000x128xf32>, vector<128x128xf32>, vector<10000x128xf32> -> vector<10000x128xf32>
    %get3A_11 = arith.constant 0 : index
    %get3A_12 = arith.constant 0 : index
    %get3A_13 = vector.load %arg3[%get3A_11, %get3A_12] : memref<1x128xf32, #tpu.memory_space<vmem>>, vector<1x128xf32>
    %add3A_14 = vector.broadcast %get3A_13 : vector<1x128xf32> to vector<10000x128xf32>
    %add3A_15 = arith.addf %dot_general3A_10, %add3A_14 : vector<10000x128xf32>
    %max3A = arith.constant 0.000000e+00 : f32
    %max3A_16 = vector.broadcast %max3A : f32 to vector<10000x128xf32>
    %max3A_17 = arith.maximumf %add3A_15, %max3A_16 : vector<10000x128xf32>
    %reduce_sum3A = arith.constant dense<0.000000e+00> : vector<128xf32>
    %reduce_sum3A_18 = vector.multi_reduction <add>, %max3A_17, %reduce_sum3A [0] : vector<10000x128xf32> to vector<128xf32>
    %broadcast_in_dim3A = vector.shape_cast %reduce_sum3A_18 : vector<128xf32> to vector<1x128xf32>
    %div3A = arith.constant 1.000000e+04 : f32
    %div3A_19 = vector.broadcast %div3A : f32 to vector<1x128xf32>
    %div3A_20 = arith.divf %broadcast_in_dim3A, %div3A_19 : vector<1x128xf32>
    %sub3A = vector.broadcast %div3A_20 : vector<1x128xf32> to vector<10000x128xf32>
    %sub3A_21 = arith.subf %max3A_17, %sub3A : vector<10000x128xf32>
    %sub3A_22 = vector.broadcast %div3A_20 : vector<1x128xf32> to vector<10000x128xf32>
    %sub3A_23 = arith.subf %max3A_17, %sub3A_22 : vector<10000x128xf32>
    %mul3A_24 = arith.mulf %sub3A_21, %sub3A_23 : vector<10000x128xf32>
    %reduce_sum3A_25 = arith.constant dense<0.000000e+00> : vector<128xf32>
    %reduce_sum3A_26 = vector.multi_reduction <add>, %mul3A_24, %reduce_sum3A_25 [0] : vector<10000x128xf32> to vector<128xf32>
    %broadcast_in_dim3A_27 = vector.shape_cast %reduce_sum3A_26 : vector<128xf32> to vector<1x128xf32>
    %div3A_28 = arith.constant 1.000000e+04 : f32
    %div3A_29 = vector.broadcast %div3A_28 : f32 to vector<1x128xf32>
    %div3A_30 = arith.divf %broadcast_in_dim3A_27, %div3A_29 : vector<1x128xf32>
    %sub3A_31 = vector.broadcast %div3A_20 : vector<1x128xf32> to vector<10000x128xf32>
    %sub3A_32 = arith.subf %max3A_17, %sub3A_31 : vector<10000x128xf32>
    %add3A_33 = arith.constant 9.99999974E-6 : f32
    %add3A_34 = vector.broadcast %add3A_33 : f32 to vector<1x128xf32>
    %add3A_35 = arith.addf %div3A_30, %add3A_34 : vector<1x128xf32>
    %rsqrt3A = math.rsqrt %add3A_35 : vector<1x128xf32>
    %mul3A_36 = vector.broadcast %rsqrt3A : vector<1x128xf32> to vector<10000x128xf32>
    %mul3A_37 = arith.mulf %sub3A_32, %mul3A_36 : vector<10000x128xf32>
    %get3A_38 = arith.constant 0 : index
    %get3A_39 = arith.constant 0 : index
    %get3A_40 = vector.load %arg4[%get3A_38, %get3A_39] : memref<1x128xf32, #tpu.memory_space<vmem>>, vector<1x128xf32>
    %mul3A_41 = vector.broadcast %get3A_40 : vector<1x128xf32> to vector<10000x128xf32>
    %mul3A_42 = arith.mulf %mul3A_37, %mul3A_41 : vector<10000x128xf32>
    %get3A_43 = arith.constant 0 : index
    %get3A_44 = arith.constant 0 : index
    %get3A_45 = vector.load %arg5[%get3A_43, %get3A_44] : memref<1x128xf32, #tpu.memory_space<vmem>>, vector<1x128xf32>
    %add3A_46 = vector.broadcast %get3A_45 : vector<1x128xf32> to vector<10000x128xf32>
    %add3A_47 = arith.addf %mul3A_42, %add3A_46 : vector<10000x128xf32>
    %get3A_48 = arith.constant 0 : index
    %get3A_49 = arith.constant 0 : index
    %get3A_50 = vector.load %arg6[%get3A_48, %get3A_49] : memref<128x128xf32, #tpu.memory_space<vmem>>, vector<128x128xf32>
    %dot_general3A_51 = arith.constant dense<0.000000e+00> : vector<10000x128xf32>
    %dot_general3A_52 = tpu.matmul %add3A_47, %get3A_50, %dot_general3A_51 {dimension_numbers = #tpu.dot_dimension_numbers<[1], [1], [0], [0], [0, 0, 1, 0], [], []>, transpose_lhs_hint = false} : vector<10000x128xf32>, vector<128x128xf32>, vector<10000x128xf32> -> vector<10000x128xf32>
    %get3A_53 = arith.constant 0 : index
    %get3A_54 = arith.constant 0 : index
    %get3A_55 = vector.load %arg7[%get3A_53, %get3A_54] : memref<1x128xf32, #tpu.memory_space<vmem>>, vector<1x128xf32>
    %add3A_56 = vector.broadcast %get3A_55 : vector<1x128xf32> to vector<10000x128xf32>
    %add3A_57 = arith.addf %dot_general3A_52, %add3A_56 : vector<10000x128xf32>
    %max3A_58 = arith.constant 0.000000e+00 : f32
    %max3A_59 = vector.broadcast %max3A_58 : f32 to vector<10000x128xf32>
    %max3A_60 = arith.maximumf %add3A_57, %max3A_59 : vector<10000x128xf32>
    %reduce_sum3A_61 = arith.constant dense<0.000000e+00> : vector<128xf32>
    %reduce_sum3A_62 = vector.multi_reduction <add>, %max3A_60, %reduce_sum3A_61 [0] : vector<10000x128xf32> to vector<128xf32>
    %broadcast_in_dim3A_63 = vector.shape_cast %reduce_sum3A_62 : vector<128xf32> to vector<1x128xf32>
    %div3A_64 = arith.constant 1.000000e+04 : f32
    %div3A_65 = vector.broadcast %div3A_64 : f32 to vector<1x128xf32>
    %div3A_66 = arith.divf %broadcast_in_dim3A_63, %div3A_65 : vector<1x128xf32>
    %sub3A_67 = vector.broadcast %div3A_66 : vector<1x128xf32> to vector<10000x128xf32>
    %sub3A_68 = arith.subf %max3A_60, %sub3A_67 : vector<10000x128xf32>
    %sub3A_69 = vector.broadcast %div3A_66 : vector<1x128xf32> to vector<10000x128xf32>
    %sub3A_70 = arith.subf %max3A_60, %sub3A_69 : vector<10000x128xf32>
    %mul3A_71 = arith.mulf %sub3A_68, %sub3A_70 : vector<10000x128xf32>
    %reduce_sum3A_72 = arith.constant dense<0.000000e+00> : vector<128xf32>
    %reduce_sum3A_73 = vector.multi_reduction <add>, %mul3A_71, %reduce_sum3A_72 [0] : vector<10000x128xf32> to vector<128xf32>
    %broadcast_in_dim3A_74 = vector.shape_cast %reduce_sum3A_73 : vector<128xf32> to vector<1x128xf32>
    %div3A_75 = arith.constant 1.000000e+04 : f32
    %div3A_76 = vector.broadcast %div3A_75 : f32 to vector<1x128xf32>
    %div3A_77 = arith.divf %broadcast_in_dim3A_74, %div3A_76 : vector<1x128xf32>
    %sub3A_78 = vector.broadcast %div3A_66 : vector<1x128xf32> to vector<10000x128xf32>
    %sub3A_79 = arith.subf %max3A_60, %sub3A_78 : vector<10000x128xf32>
    %add3A_80 = arith.constant 9.99999974E-6 : f32
    %add3A_81 = vector.broadcast %add3A_80 : f32 to vector<1x128xf32>
    %add3A_82 = arith.addf %div3A_77, %add3A_81 : vector<1x128xf32>
    %rsqrt3A_83 = math.rsqrt %add3A_82 : vector<1x128xf32>
    %mul3A_84 = vector.broadcast %rsqrt3A_83 : vector<1x128xf32> to vector<10000x128xf32>
    %mul3A_85 = arith.mulf %sub3A_79, %mul3A_84 : vector<10000x128xf32>
    %get3A_86 = arith.constant 0 : index
    %get3A_87 = arith.constant 0 : index
    %get3A_88 = vector.load %arg8[%get3A_86, %get3A_87] : memref<1x128xf32, #tpu.memory_space<vmem>>, vector<1x128xf32>
    %mul3A_89 = vector.broadcast %get3A_88 : vector<1x128xf32> to vector<10000x128xf32>
    %mul3A_90 = arith.mulf %mul3A_85, %mul3A_89 : vector<10000x128xf32>
    %get3A_91 = arith.constant 0 : index
    %get3A_92 = arith.constant 0 : index
    %get3A_93 = vector.load %arg9[%get3A_91, %get3A_92] : memref<1x128xf32, #tpu.memory_space<vmem>>, vector<1x128xf32>
    %add3A_94 = vector.broadcast %get3A_93 : vector<1x128xf32> to vector<10000x128xf32>
    %add3A_95 = arith.addf %mul3A_90, %add3A_94 : vector<10000x128xf32>
    %swap3A = arith.constant 0 : index
    %swap3A_96 = arith.constant 0 : index
    %swap3A_97 = vector.load %arg10[%swap3A, %swap3A_96] : memref<10000x128xf32, #tpu.memory_space<vmem>>, vector<10000x128xf32>
    tpu.vector_store %arg10[%swap3A, %swap3A_96], %add3A_95 {strides = array<i32>} : memref<10000x128xf32, #tpu.memory_space<vmem>>, vector<10000x128xf32>,
    return
  }
}

</mosaic_0001>

<sc_bundles>
// kernel: kernel.4.cloned.1.call-start
scs
__scs_entry_jumppad:
0x0: {  	(pc) =	sbr.rel $0x88, $3  }
0x1: {  	(tag) =	ssettag $0x0;
	lr =	simm.s32 $0x1  }
0x2: {  	[smem:$0x3F97] =	sst lr;
	_ =	strace $0xD0000000  }
0x3: {  	_ = 	snop  }
0x4: {  	_ = 	snop  }
0x5: {  	_ = 	snop  }
0x6: {  	_ = 	snop  }
0x7: {  	_ = 	snop  }
__scs_overlays_trampoline_lowered:
0x8: {  	[smem:$0x3FA6] =	sst s0  }
0x9: {  	[smem:$0x3FA7] =	sst s1  }
0xa: {  	[smem:$0x3FA8] =	sst s2  }
0xb: {  	[smem:$0x3FA9] =	sst s3  }
0xc: {  	[smem:$0x3FAA] =	sst s4  }
0xd: {  	[smem:$0x3FAB] =	sst s5  }
0xe: {  	[smem:$0x3FAC] =	sst s6  }
0xf: {  	[smem:$0x3FAD] =	sst s7  }
0x10: {  	[smem:$0x3FAE] =	sst s8  }
0x11: {  	[smem:$0x3FAF] =	sst s9;
	s0 =	simm.s32 @!p0 $0x0  }
0x12: {  	s1 =	sld [smem:$0x3F95];
	s0 =	simm.s32 @p0 $0x1  }
0x13: {  	[smem:$0x3FB0] =	sst s0;
	s0 =	simm.s32 @!p1 $0x0  }
0x14: {  	s2 =	sld [smem:$0x3F94];
	s0 =	simm.s32 @p1 $0x1  }
0x15: {  	[smem:$0x3FB1] =	sst s0;
	s0 =	simm.s32 @!p2 $0x0  }
0x16: {  	s3 =	sld [smem:$0x3FDB];
	s0 =	simm.s32 @p2 $0x1  }
0x17: {  	s4 =	simm.s32 $0x1BF5;
	[smem:$0x3FB3] =	sst s0  }
0x18: {  	s0 =	sld [smem:$0x3F96];
	_ =	swait.ge [sflag:s4], $0x0  }
0x19: {  	s7 =	sld [smem:$0x3F97]  }
0x1a: {  	s8 =	sadd.s32 $0xFFFFE003, lr  }
0x1b: {  	s9 =	sadd.s32 $0xFFFFFEF7, lr;
	s5 =	simm.s32 $0xFFFFFFFF;
	p2 =	slt.u32 s8, $0xFFFFF086  }
0x1c: {  	p1 =	slt.u32 s9, $0xF7A;
	s5 =	simm.s32 @!p2 $0x0  }
0x1d: {  	s5 =	simm.s32 @p1 $0x1;
	p0 =	seq.s32 s7, s2  }
0x1e: {  	s7 =	smul.u32 @!p0 $0xF7A, s2;
	p2 =	seq.s32 @!p0 s5, $0x0  }
0x1f: {  	s9 =	smul.u32 $0xF7A, s1;
	s8 =	simm.s32 @!p0 $0x1BF5;
	p2 =	por !p2, p0  }
0x20: {  	[sflag:s8] =	ssyncset.s32 @!p0 $0xFFFFF086;
	s6 =	sadd.s32 @!p0 s3, s7;
	s7 =	simm.s32 @!p0 $0x108  }
0x21: {  	s3 =	sadd.s32 s3, s9;
	s6 =	sadd.s32 @!p0 $0x88, s6;
	s7 =	simm.s32 @p2 $0x1082  }
0x22: {  	[simem:s7], [sflag:s8] =	dma.local @!p0 [hbm:s6], $0xF7A  }
0x23: {  	s9 =	sor.u32 $0xD0000000, s2;
	s6 =	simm.s32 $0x108;
	_ =	swait.ge @!p0 [sflag:s8], $0x0  }
0x24: {  	s3 =	sadd.s32 $0x88, s3;
	s6 =	simm.s32 @!p1 $0x1082;
	[sflag:s4] =	ssyncset.s32 $0xFFFFF086  }
0x25: {  	[simem:s6], [sflag:s4] =	dma.local [hbm:s3], $0xF7A  }
0x26: {  	[smem:$0x3F97] =	sst s1;
	(tag) =	ssettag s2;
	_ =	strace s9  }
0x27: {  	s1 =	sld [smem:$0x3FA7]  }
0x28: {  	s2 =	sld [smem:$0x3FA8]  }
0x29: {  	s4 =	sld [smem:$0x3FAA]  }
0x2a: {  	p0 =	seq.s32 s5, $0x0;
	s5 =	sld [smem:$0x3FAB]  }
0x2b: {  	s6 =	sld [smem:$0x3FAC]  }
0x2c: {  	s7 =	sld [smem:$0x3FAD]  }
0x2d: {  	s3 =	simm.s32 $0x108;
	s8 =	sld [smem:$0x3FAE]  }
0x2e: {  	s3 =	simm.s32 @!p0 $0x1082;
	s9 =	sld [smem:$0x3FAF]  }
0x2f: {  	lr =	sadd.s32 s0, s3;
	s0 =	sld [smem:$0x3FA6]  }
0x30: {  	s3 =	sld [smem:$0x3FA9]  }
0x31: {  	[smem:$0x3FB2] =	sst s10  }
0x32: {  	s10 =	sld [smem:$0x3FB0];
	_ =	sdelay $0x3  }
0x33: {  	p0 =	seq.s32 s10, $0x1;
	s10 =	sld [smem:$0x3FB2];
	_ =	sdelay $0x3  }
0x34: {  	[smem:$0x3FB2] =	sst s10  }
0x35: {  	s10 =	sld [smem:$0x3FB1];
	_ =	sdelay $0x3  }
0x36: {  	p1 =	seq.s32 s10, $0x1;
	s10 =	sld [smem:$0x3FB2];
	_ =	sdelay $0x3  }
0x37: {  	[smem:$0x3FB2] =	sst s10  }
0x38: {  	s10 =	sld [smem:$0x3FB3]  }
0x39: {  	_ = 	snop;
	(pc) =	sbr.ind lr, $3  }
0x3a: {  	_ = 	snop  }
0x3b: {  	_ = 	snop  }
0x3c: {  	p2 =	seq.s32 s10, $0x1;
	s10 =	sld [smem:$0x3FB2]  }
0x3d: {  	_ =	shalt  }
0x3e: {  	_ =	shalt  }
0x3f: {  	_ =	shalt  }
0x40: {  	_ =	shalt  }
0x41: {  	_ =	shalt  }
0x42: {  	_ =	shalt  }
0x43: {  	_ =	shalt  }
0x44: {  	_ =	shalt  }
0x45: {  	_ =	shalt  }
0x46: {  	_ =	shalt  }
0x47: {  	_ =	shalt  }
0x48: {  	_ =	shalt  }
0x49: {  	_ =	shalt  }
0x4a: {  	_ =	shalt  }
0x4b: {  	_ =	shalt  }
0x4c: {  	_ =	shalt  }
0x4d: {  	_ =	shalt  }
0x4e: {  	_ =	shalt  }
0x4f: {  	_ =	shalt  }
0x50: {  	_ =	shalt  }
0x51: {  	_ =	shalt  }
0x52: {  	_ =	shalt  }
0x53: {  	_ =	shalt  }
0x54: {  	_ =	shalt  }
0x55: {  	_ =	shalt  }
0x56: {  	_ =	shalt  }
0x57: {  	_ =	shalt  }
0x58: {  	_ =	shalt  }
0x59: {  	_ =	shalt  }
0x5a: {  	_ =	shalt  }
0x5b: {  	_ =	shalt  }
0x5c: {  	_ =	shalt  }
0x5d: {  	_ =	shalt  }
0x5e: {  	_ =	shalt  }
0x5f: {  	_ =	shalt  }
0x60: {  	_ =	shalt  }
0x61: {  	_ =	shalt  }
0x62: {  	_ =	shalt  }
0x63: {  	_ =	shalt  }
0x64: {  	_ =	shalt  }
0x65: {  	_ =	shalt  }
0x66: {  	_ =	shalt  }
0x67: {  	_ =	shalt  }
0x68: {  	_ =	shalt  }
0x69: {  	_ =	shalt  }
0x6a: {  	_ =	shalt  }
0x6b: {  	_ =	shalt  }
0x6c: {  	_ =	shalt  }
0x6d: {  	_ =	shalt  }
0x6e: {  	_ =	shalt  }
0x6f: {  	_ =	shalt  }
0x70: {  	_ =	shalt  }
0x71: {  	_ =	shalt  }
0x72: {  	_ =	shalt  }
0x73: {  	_ =	shalt  }
0x74: {  	_ =	shalt  }
0x75: {  	_ =	shalt  }
0x76: {  	_ =	shalt  }
0x77: {  	_ =	shalt  }
0x78: {  	_ =	shalt  }
0x79: {  	_ =	shalt  }
0x7a: {  	_ =	shalt  }
0x7b: {  	_ =	shalt  }
0x7c: {  	_ =	shalt  }
0x7d: {  	_ =	shalt  }
0x7e: {  	_ =	shalt  }
0x7f: {  	_ =	shalt  }
0x80: {  	_ =	shalt  }
0x81: {  	_ =	shalt  }
0x82: {  	_ =	shalt  }
0x83: {  	_ =	shalt  }
0x84: {  	_ =	shalt  }
0x85: {  	_ =	shalt  }
0x86: {  	_ =	shalt  }
0x87: {  	_ =	shalt  }
.Lfunc_end0:
.L_simem_size_0:
called_computation_lowered:
.L_overlay_start_0:
0x88: {  	s2 =	sld [smem:$0x3FD9]  }
0x89: {  	s3 =	sld [smem:$0x3FFE];
	_ =	sdelay $0x1  }
0x8a: {  	s1 =	srdreg.scid  }
0x8b: {  	s0 =	sand.u32 $0x1, s1  }
0x8c: {  	s17 =	sshll.u32 s0, $0xA;
	s2 =	sadd.s32 s3, s2  }
0x8d: {  	s2 =	sadd.s32 s2, s17  }
0x8e: {  	[smem:$0x3FBE] =	sst s2  }
0x8f: {  	_ = 	snop  }
0x90: {  	s2 =	sld [smem:$0x3FC9]  }
0x91: {  	s18 =	sld [smem:$0x3FD0];
	(tm) =	ssettm $0x1  }
0x92: {  	s4 =	sld [smem:$0x3FFB];
	_ =	sdelay $0x3  }
0x93: {  	_ =	strace s4  }
0x94: {  	s4 =	sld [smem:$0x3FFC];
	_ =	sdelay $0x3  }
0x95: {  	_ =	strace s4  }
0x96: {  	s4 =	sld [smem:$0x3FFD];
	_ =	sdelay $0x3  }
0x97: {  	_ =	strace s4  }
0x98: {  	_ =	strace $0x8FFFFFFF  }
0x99: {  	s19 =	sld [smem:$0x3FDB];
	_ =	sdelay $0x1  }
0x9a: {  	s5 =	simm.s32 $_scs_section_size  }
0x9b: {  	s6 =	simm.s32 $_size__tile_overlayer_lowered;
	s7 =	simm.s32 $_tile_overlayer_lowered  }
0x9c: {  	s22 =	simm.s32 $0x1BFF;
	s21 =	sshll.u32 s7, $0x1;
	s4 =	sadd.s32 s5, s19  }
0x9d: {  	s8 =	simm.s32 $0x0;
	s20 =	sshll.u32 s6, $0x1;
	s6 =	sadd.s32 s21, s4  }
0x9e: {  	[timem:s8], [sflag:s22] =	dma.local [hbm:s6], s20  }
0x9f: {  	_ =	swait.ge [sflag:s22], s20  }
0xa0: {  	s5 =	ssub.s32 $0x0, s20;
	[sflag:s22] =	ssyncset.done $0x0  }
0xa1: {  	[sflag:s22] =	ssyncadd.s32 s5;
	_ =	sdelay $0x1  }
0xa2: {  	s23 =	simm.s32 $0x1B8B  }
0xa3: {  	_ =	swait.ge [sflag:s23], $0x1  }
0xa4: {  	[sflag:s23] =	ssyncset.done $0x0  }
0xa5: {  	s25 =	simm.s32 $0x1B8E;
	s24 =	sld [smem:$0x3FFE];
	[sflag:s23] =	ssyncadd.s32 $0xFFFFFFFF  }
0xa6: {  	s26 =	simm.s32 $execute0_lowered;
	[smem:$0x3FD2] =	sst s25  }
0xa7: {  	s6 =	sshll.u32 s26, $0x1;
	_ =	strace $0x80000046;
	[dreg:$0x1] =	wrdreg $0xFFFFFFFF  }
0xa8: {  	s28 =	simm.s32 $_size_execute0_lowered;
	s4 =	sadd.s32 s4, s6;
	[dreg:$0x0] =	wrdreg $0x0  }
0xa9: {  	s6 =	sshll.u32 s28, $0x1;
	[dreg:$0x2] =	wrdreg s4  }
0xaa: {  	[dreg:$0x3] =	wrdreg s6  }
0xab: {  	[dreg:$0x4] =	wrdreg $0xC0  }
0xac: {  	_ =	task [dreg:s8], $0x5FFFF  }
0xad: {  	[dreg:$0x1] =	wrdreg $0xFFFFFFFF  }
0xae: {  	[dreg:$0x0] =	wrdreg $0x60  }
0xaf: {  	[dreg:$0x2] =	wrdreg s2  }
0xb0: {  	[dreg:$0x3] =	wrdreg s18  }
0xb1: {  	[dreg:$0x4] =	wrdreg s24  }
0xb2: {  	[dreg:$0x5] =	wrdreg $0x142800  }
0xb3: {  	[dreg:$0x6] =	wrdreg $0x9  }
0xb4: {  	_ =	task.clear_ibuf [dreg:s8], $0x7FFFF;
	_ =	strace $0x90000046  }
0xb5: {  	s29 =	simm.s32 $0x9;
	_ =	strace $0x80000048  }
0xb6: {  	_ =	swait.ge [sflag:s29], $0x1  }
0xb7: {  	[sflag:s29] =	ssyncadd.s32 $0xFFFFFFFF  }
0xb8: {  	_ =	strace $0x90000048  }
0xb9: {  	_ =	sfence  }
0xba: {  	s30 =	sld [smem:$0x0];
	_ =	sdelay $0x2  }
0xbb: {  	s31 =	sshll.u32 s1, $0xD;
	s1 =	sshrl.u32 s1, $0x2  }
0xbc: {  	s3 =	sand.u32 $0x4000, s31;
	s1 =	sadd.s32 s1, s30  }
0xbd: {  	s0 =	sor.u32 s3, s0;
	s1 =	sshll.u32 s1, $0x11  }
0xbe: {  	s0 =	sor.u32 s1, s0  }
0xbf: {  	s0 =	sadd.s32 $0x8F2B, s0  }
0xc0: {  	[sflag:s0] =	ssyncadd.remote.s32 $0x1  }
0xc1: {  	_ =	sfence.sel $0xFFFF  }
0xc2: {  	[dreg:$0x0] =	wrdreg $0xFFFFFFFF;
	(pc) =	sbr.abs _section_cstart, $3  }
0xc3: {  	[dreg:$0x1] =	wrdreg $0xFFFFFFFF  }
0xc4: {  	_ =	task.clear_ibuf [dreg:s8], $0x2FFFF;
	_ =	strace $0x9FFFFFFF  }
0xc5: {  	(tm) =	ssettm $0x7FFFFFFF  }
tec
execute0_lowered:
.L_overlay_start_1:
0x0: {  	(tag) =	ssettag $0x1  }
0x1: {  	s1 =	rddreg [dreg:$0x0]  }
0x2: {  	s0 =	rddreg [dreg:$0x1]  }
0x3: {  	s3 =	rddreg [dreg:$0x2]  }
0x4: {  	s2 =	rddreg [dreg:$0x3];
	s4 =	srdreg.scid  }
0x5: {  	s12 =	stileid.u32;
	s15 =	simm.s32 $0x5;
	s16 =	simm.s32 $0x1000  }
0x6: {  	s17 =	simm.s32 $0xC200;
	s18 =	simm.s32 $0x1;
	s6 =	smul.u32 $0x140, s12  }
0x7: {  	s19 =	simm.s32 $0x40;
	s28 =	simm.s32 $0x12200;
	s7 =	smul.u32 $0xA00, s12  }
0x8: {  	s29 =	simm.s32 $0x14200;
	s30 =	simm.s32 $0x2;
	s9 =	smul.u32 $0x2A000, s12  }
0x9: {  	s5 =	sand.u32 $0x1, s4;
	s4 =	simm.s32 $0x0;
	s22 =	smul.u32 $0x28000, s12  }
0xa: {  	s31 =	simm.s32 $0x3;
	s8 =	smul.u32 $0x1400, s5;
	[smem:$0x7FF] =	sst s4  }
0xb: {  	s5 =	ssub.s32 $0x2, s5;
	_ =	strace $0x80000047;
	s10 =	sadd.s32 s7, s3  }
0xc: {  	s11 =	sshrl.u32 s5, $0x1;
	s21 =	sshrl.u32 s9, $0x2;
	s6 =	sadd.s32 s6, s8  }
0xd: {  	s14 =	ssub.s32 s5, s11;
	s5 =	sadd.s32 s0, s7;
	s6 =	sshll.u32 s6, $0x4  }
0xe: {  	s7 =	sadd.s32 $0x2000, s10;
	s3 =	sadd.s32 s6, s3;
	s6 =	sadd.s32 s21, s2  }
0xf: {  	s0 =	sshrl.u32 s22, $0x2;
	s22 =	simm.s32 $0xE200;
	s23 =	sadd.s32 $0x2000, s6  }
.Ltmp0:
0x10: {  	s24 =	sadd.s32 $0x4000, s6;
	[dreg:$0x5] =	wrdreg s23;
	(pc) =	sbr.rel .LBB2_1-.Ltmp0, $4  }
0x11: {  	s0 =	sadd.s32 s0, s2;
	s25 =	sadd.s32 $0x6000, s6;
	[dreg:$0x6] =	wrdreg s24  }
0x12: {  	s14 =	smax.u32 s14, $0x1;
	s26 =	sadd.s32 $0x8000, s6;
	[dreg:$0x7] =	wrdreg s25  }
0x13: {  	v1 =	vimm.s32 $0x1400;
	s12 =	sadd.s32 $0xA000, s6;
	s13 =	sadd.s32 $0xC000, s3;
	[dreg:$0x8] =	wrdreg s26  }
0x14: {  	v2 =	vimm.s32 $0x0;
	v3 =	vimm.f32 $0.0e+00;
	v0 =	vmov s8;
	s24 =	sshrl.u32 s0, $0x3;
	s25 =	simm.s32 $0x10200;
	s0 =	simm.s32 $0x4  }
.LBB2_10:
0x15: {  	[tilespmem:s3], [sflag:$0x4] =	stream.indirect.gather @!p1 [hbm4b:s1+s9], $0x80, s8, s9, $0xb8;
	[tilespmem:$0x1EA80] =	vst v63  }
.LBB2_11:
0x16: {  	s3 =	stileid.u32;
	s4 =	sadd.s32 $0x1, s4  }
0x17: {  	s3 =	sshll.u32 s3, $0x6;
	p0 =	sne.s32 s4, s14  }
.Ltmp1:
0x18: {  	[bflag:$0x0] =	sbarrier.arrive $0xFFFF;
	s3 =	sor.u32 $0x1C05, s3;
	(pc) =	sbr.rel @!p0 .LBB2_12-.Ltmp1, $4  }
0x19: {  	[hbm:s13], [sflag:s3] =	dma.local [spmem:s24], $0x1400  }
0x1a: {  	_ =	swait.ge [sflag:s15], $0x1400  }
0x1b: {  	[sflag:s15] =	ssyncset.done $0x0  }
0x1c: {  	[sflag:s15] =	ssyncadd.s32 $0xFFFFEC00  }
.LBB2_1:
0x1d: {  	s8 =	simm.s32 $0x0;
	s3 =	simm.s32 $0x0  }
.LBB2_2:
0x1e: {  	s9 =	sshll.u32 s3, $0x9  }
0x1f: {  	s21 =	simm.s32 $0x0;
	s20 =	sadd.s32 s9, s5  }
0x20: {  	[tilespmem:s21], [sflag:$0x5] =	stream.linear.gather [hbm4b:s20+s21], $0x1000, $0x38;
	[tilespmem:$0x1EA80] =	vst v63  }
0x21: {  	_ =	swait.ge [sflag:s15], $0x1000  }
0x22: {  	[sflag:s15] =	ssyncset.done $0x0  }
0x23: {  	s9 =	sadd.s32 s9, s7;
	[sflag:s15] =	ssyncadd.s32 $0xFFFFF000  }
0x24: {  	[tilespmem:s16], [sflag:$0x5] =	stream.linear.gather [hbm4b:s9+s21], $0x1000, $0x38;
	[tilespmem:$0x1EA80] =	vst v63  }
0x25: {  	_ =	swait.ge [sflag:s15], $0x1000  }
0x26: {  	[sflag:s15] =	ssyncset.done $0x0  }
0x27: {  	s23 =	simm.s32 $0x0;
	[sflag:s15] =	ssyncadd.s32 $0xFFFFF000  }
0x28: {  	v4 =	vld [tilespmem:s23+$0x1000];
	_ =	sdelay $0x4  }
0x29: {  	v4 =	vsub.s32 v4, v0  }
0x2a: {  	vm0 =	vlt.u32 v4, $0x1400  }
0x2b: {  	[tilespmem:s8+$0x7100] =	vst.msk vm0, v4;
	v4 =	vmpcnt.ones.xlane vm0  }
0x2c: {  	v5 =	vld [tilespmem:s23+$0x0]  }
0x2d: {  	(v2sf) =	vpush v4, $0x0;
	_ =	sdelay $0x3  }
0x2e: {  	[tilespmem:s8+$0x2000] =	vst.msk vm0, v5  }
0x2f: {  	v4 =	vld [tilespmem:s23+$0x1010];
	_ =	sdelay $0x4  }
0x30: {  	v4 =	vsub.s32 v4, v0  }
0x31: {  	vm15 =	vlt.u32 v4, $0x1400  }
0x32: {  	v5 =	vmpcnt.ones.xlane vm15;
	_ =	sdelay $0x1  }
0x33: {  	(v2sf) =	vpush v5, $0x0  }
0x34: {  	s26 =	spop (v2sf)  }
0x35: {  	s21 =	sadd.s32 s8, s26  }
0x36: {  	[tilespmem:s21+$0x7100] =	vst.msk vm15, v4  }
0x37: {  	v4 =	vld [tilespmem:s23+$0x10];
	_ =	sdelay $0x4  }
0x38: {  	s8 =	simm.s32 $0x20;
	[tilespmem:s21+$0x2000] =	vst.msk vm15, v4  }
0x39: {  	v4 =	vld [tilespmem:s8+$0x1000];
	_ =	sdelay $0x4  }
0x3a: {  	s20 =	simm.s32 $0x100;
	v4 =	vsub.s32 v4, v0;
	s23 =	spop (v2sf)  }
.LBB2_3:
0x3b: {  	p0 =	sne.s32 s20, $0x3F80  }
0x3c: {  	vm0 =	vlt.u32 v4, $0x1400;
	s9 =	sadd.s32 s21, s23;
	s23 =	smov.u32 s20;
	s20 =	sadd.s32 $0x80, s20  }
0x3d: {  	[tilespmem:s9+$0x7100] =	vst.msk vm0, v4;
	v4 =	vmpcnt.ones.xlane vm0  }
0x3e: {  	v5 =	vld [tilespmem:s8+$0x0]  }
0x3f: {  	(v2sf) =	vpush v4, $0x0;
	_ =	sdelay $0x3  }
0x40: {  	[tilespmem:s9+$0x2000] =	vst.msk vm0, v5  }
0x41: {  	v4 =	vld [tilespmem:s8+$0x1010];
	_ =	sdelay $0x4  }
0x42: {  	v4 =	vsub.s32 v4, v0  }
0x43: {  	vm0 =	vlt.u32 v4, $0x1400  }
0x44: {  	v5 =	vmpcnt.ones.xlane vm0;
	_ =	sdelay $0x1  }
0x45: {  	(v2sf) =	vpush v5, $0x0  }
0x46: {  	s21 =	spop (v2sf)  }
0x47: {  	s21 =	sadd.s32 s9, s21  }
0x48: {  	[tilespmem:s21+$0x7100] =	vst.msk vm0, v4  }
0x49: {  	v4 =	vld [tilespmem:s8+$0x10];
	_ =	sdelay $0x4  }
0x4a: {  	s8 =	sshra.s32 s23, $0x2;
	[tilespmem:s21+$0x2000] =	vst.msk vm0, v4  }
0x4b: {  	v4 =	vld [tilespmem:s8+$0x1000]  }
.Ltmp2:
0x4c: {  	(pc) =	sbr.rel @p0 .LBB2_3-.Ltmp2, $2  }
0x4d: {  	_ =	sdelay $0x2  }
0x4e: {  	v4 =	vsub.s32 v4, v0;
	s23 =	spop (v2sf)  }
0x4f: {  	vm0 =	vlt.u32 v4, $0x1400;
	s9 =	sadd.s32 s21, s23  }
0x50: {  	[tilespmem:s9+$0x7100] =	vst.msk vm0, v4  }
0x51: {  	v4 =	vld [tilespmem:s8+$0x0];
	_ =	sdelay $0x4  }
0x52: {  	[tilespmem:s9+$0x2000] =	vst.msk vm0, v4  }
0x53: {  	v4 =	vmpcnt.ones.xlane vm0;
	v5 =	vld [tilespmem:s8+$0x1010];
	_ =	sdelay $0x1  }
0x54: {  	(v2sf) =	vpush v4, $0x0;
	_ =	sdelay $0x2  }
0x55: {  	v4 =	vsub.s32 v5, v0  }
0x56: {  	vm15 =	vlt.u32 v4, $0x1400  }
0x57: {  	v5 =	vmpcnt.ones.xlane vm15;
	_ =	sdelay $0x1  }
0x58: {  	(v2sf) =	vpush v5, $0x0;
	_ =	sdelay $0x7  }
0x59: {  	s20 =	spop (v2sf)  }
0x5a: {  	s9 =	sadd.s32 s9, s20  }
0x5b: {  	s3 =	sadd.s32 $0x1, s3;
	[tilespmem:s9+$0x7100] =	vst.msk vm15, v4  }
0x5c: {  	p0 =	sne.s32 s3, $0x5;
	v4 =	vld [tilespmem:s8+$0x10]  }
.Ltmp3:
0x5d: {  	_ = 	snop;
	(pc) =	sbr.rel @p0 .LBB2_2-.Ltmp3, $3  }
0x5e: {  	_ =	sdelay $0x1  }
0x5f: {  	s26 =	spop (v2sf)  }
0x60: {  	[tilespmem:s9+$0x2000] =	vst.msk vm15, v4;
	s8 =	sadd.s32 s9, s26  }
0x61: {  	[tilespmem:s8+$0x7100] =	vst v1  }
0x62: {  	[tilespmem:s8+$0x2000] =	vst v2  }
0x63: {  	[tilespmem:s8+$0x7110] =	vst v1  }
0x64: {  	[tilespmem:s8+$0x2010] =	vst v2  }
0x65: {  	[tilespmem:s8+$0x7120] =	vst v1  }
0x66: {  	[tilespmem:s8+$0x2020] =	vst v2  }
0x67: {  	[tilespmem:s8+$0x7130] =	vst v1  }
0x68: {  	[tilespmem:s8+$0x2030] =	vst v2  }
0x69: {  	[tilespmem:s8+$0x7140] =	vst v1  }
0x6a: {  	[tilespmem:s8+$0x2040] =	vst v2  }
0x6b: {  	[tilespmem:s8+$0x7150] =	vst v1  }
0x6c: {  	[tilespmem:s8+$0x2050] =	vst v2  }
0x6d: {  	[tilespmem:s8+$0x7160] =	vst v1  }
0x6e: {  	[tilespmem:s8+$0x2060] =	vst v2  }
0x6f: {  	[tilespmem:s8+$0x7170] =	vst v1  }
0x70: {  	[tilespmem:s8+$0x2070] =	vst v2  }
0x71: {  	[tilespmem:s8+$0x7180] =	vst v1  }
0x72: {  	[tilespmem:s8+$0x2080] =	vst v2  }
0x73: {  	[tilespmem:s8+$0x7190] =	vst v1  }
0x74: {  	[tilespmem:s8+$0x2090] =	vst v2  }
0x75: {  	[tilespmem:s8+$0x71A0] =	vst v1  }
0x76: {  	[tilespmem:s8+$0x20A0] =	vst v2  }
0x77: {  	[tilespmem:s8+$0x71B0] =	vst v1  }
0x78: {  	[tilespmem:s8+$0x20B0] =	vst v2  }
0x79: {  	[tilespmem:s8+$0x71C0] =	vst v1  }
0x7a: {  	[tilespmem:s8+$0x20C0] =	vst v2  }
0x7b: {  	[tilespmem:s8+$0x71D0] =	vst v1  }
0x7c: {  	[tilespmem:s8+$0x20D0] =	vst v2  }
0x7d: {  	[tilespmem:s8+$0x71E0] =	vst v1;
	s3 =	simm.s32 $0x0  }
0x7e: {  	[tilespmem:s8+$0x20E0] =	vst v2;
	s9 =	sand.u32 $0x7E00, s3  }
0x7f: {  	[tilespmem:s8+$0x71F0] =	vst v1;
	s21 =	sand.u32 $0x70, s3;
	s9 =	sshrl.u32 s9, $0x2  }
0x80: {  	[tilespmem:s8+$0x20F0] =	vst v2;
	s20 =	simm.s32 $0x40;
	s9 =	sor.u32 s21, s9  }
.LBB2_6:
0x81: {  	p0 =	sne.s32 s20, $0x7FC0  }
0x82: {  	[tilespmem:s9+$0xC200] =	vst v3;
	s3 =	sadd.s32 $0x10, s3;
	s9 =	smov.u32 s20;
	s20 =	sadd.s32 $0x40, s20  }
.Ltmp4:
0x83: {  	(pc) =	sbr.rel @p0 .LBB2_6-.Ltmp4, $4  }
0x84: {  	_ = 	snop  }
0x85: {  	s9 =	sand.u32 $0x7E00, s9  }
0x86: {  	s21 =	sand.u32 $0x70, s3;
	s9 =	sshrl.u32 s9, $0x2  }
0x87: {  	s9 =	sor.u32 s21, s9  }
0x88: {  	[tilespmem:s9+$0xC200] =	vst v3  }
0x89: {  	[spmem:s6] =	stream.linear.scatter [tilespmem:s17], [sflag:$0x5], $0x2000, $0x38;
	[tilespmem:$0x1EA80] =	vst v63  }
0x8a: {  	_ =	swait.ge [sflag:s15], $0x2000  }
0x8b: {  	[sflag:s15] =	ssyncset.done $0x0  }
0x8c: {  	s3 =	rddreg [dreg:$0x5];
	[sflag:s15] =	ssyncadd.s32 $0xFFFFE000  }
0x8d: {  	[spmem:s3] =	stream.linear.scatter [tilespmem:s17], [sflag:$0x5], $0x2000, $0x38;
	[tilespmem:$0x1EA80] =	vst v63  }
0x8e: {  	_ =	swait.ge [sflag:s15], $0x2000  }
0x8f: {  	[sflag:s15] =	ssyncset.done $0x0  }
0x90: {  	s23 =	sadd.s32 $0xFF, s8;
	s11 =	rddreg [dreg:$0x6];
	[sflag:s15] =	ssyncadd.s32 $0xFFFFE000  }
0x91: {  	[spmem:s11] =	stream.linear.scatter [tilespmem:s17], [sflag:$0x5], $0x2000, $0x38;
	[tilespmem:$0x1EA80] =	vst v63  }
0x92: {  	s8 =	sand.u32 $0xFF, s23;
	_ =	swait.ge [sflag:s15], $0x2000  }
0x93: {  	s26 =	sshra.s32 s23, $0x1F;
	p1 =	slt.s32 s23, $0x1;
	[sflag:s15] =	ssyncset.done $0x0  }
0x94: {  	p0 =	sne.s32 s8, $0x0;
	s20 =	rddreg [dreg:$0x7];
	[sflag:s15] =	ssyncadd.s32 $0xFFFFE000  }
0x95: {  	[spmem:s20] =	stream.linear.scatter [tilespmem:s17], [sflag:$0x5], $0x2000, $0x38;
	[tilespmem:$0x1EA80] =	vst v63  }
0x96: {  	s8 =	sshrl.u32 s26, $0x18;
	p0 =	por !p1, !p0;
	_ =	swait.ge [sflag:s15], $0x2000  }
0x97: {  	p0 =	por !p0, !p0;
	s3 =	sadd.s32 s8, s23;
	[sflag:s15] =	ssyncset.done $0x0  }
0x98: {  	s8 =	simm.s32 $0x1;
	s21 =	rddreg [dreg:$0x8];
	[sflag:s15] =	ssyncadd.s32 $0xFFFFE000  }
0x99: {  	[spmem:s21] =	stream.linear.scatter [tilespmem:s17], [sflag:$0x5], $0x2000, $0x38;
	[tilespmem:$0x1EA80] =	vst v63  }
0x9a: {  	s3 =	sshra.s32 s3, $0x8;
	s8 =	simm.s32 @!p0 $0x0;
	_ =	swait.ge [sflag:s15], $0x2000  }
0x9b: {  	s3 =	ssub.s32 s3, s8;
	[sflag:s15] =	ssyncset.done $0x0  }
0x9c: {  	p0 =	slt.s32 s3, $0x1;
	[sflag:s15] =	ssyncadd.s32 $0xFFFFE000  }
0x9d: {  	[spmem:s12] =	stream.linear.scatter [tilespmem:s17], [sflag:$0x5], $0x800, $0x38;
	[tilespmem:$0x1EA80] =	vst v63  }
.Ltmp5:
0x9e: {  	_ =	swait.ge [sflag:s15], $0x800;
	(pc) =	sbr.rel @p0 .LBB2_11-.Ltmp5, $3  }
0x9f: {  	[sflag:s15] =	ssyncset.done $0x0  }
0xa0: {  	[sflag:s15] =	ssyncadd.s32 $0xFFFFF800  }
0xa1: {  	[bflag:$0x0] =	sbarrier.arrive $0xFFFF;
	_ =	sdelay $0x1  }
0xa2: {  	s8 =	simm.s32 $0x2000  }
0xa3: {  	[tilespmem:s17], [sflag:$0x1] =	stream.indirect.gather [hbm4b:s1+s19], $0x80, s8, s19, $0xb8;
	[tilespmem:$0x1EA80] =	vst v63  }
0xa4: {  	s20 =	simm.s32 $0x2040  }
0xa5: {  	[tilespmem:s22], [sflag:$0x2] =	stream.indirect.gather [hbm4b:s1+s19], $0x80, s20, s19, $0xb8;
	[tilespmem:$0x1EA80] =	vst v63  }
0xa6: {  	s21 =	simm.s32 $0x2080  }
0xa7: {  	[tilespmem:s25], [sflag:$0x3] =	stream.indirect.gather [hbm4b:s1+s19], $0x80, s21, s19, $0xb8;
	[tilespmem:$0x1EA80] =	vst v63  }
0xa8: {  	s23 =	simm.s32 $0x20C0  }
0xa9: {  	[tilespmem:s28], [sflag:$0x4] =	stream.indirect.gather [hbm4b:s1+s19], $0x80, s23, s19, $0xb8;
	[tilespmem:$0x1EA80] =	vst v63  }
0xaa: {  	_ =	swait.ge [sflag:s18], $0x2000  }
0xab: {  	[sflag:s18] =	ssyncset.done $0x0  }
0xac: {  	s26 =	simm.s32 $0x0;
	[sflag:s18] =	ssyncadd.s32 $0xFFFFE000  }
0xad: {  	v4 =	vld [tilespmem:s26+$0x7100];
	_ =	sdelay $0x4  }
0xae: {  	[tilespmem:$0x14200] =	vst v4  }
0xaf: {  	v4 =	vld [tilespmem:s26+$0x7110];
	_ =	sdelay $0x4  }
0xb0: {  	[tilespmem:$0x14210] =	vst v4  }
0xb1: {  	v4 =	vld [tilespmem:s26+$0x7120];
	_ =	sdelay $0x4  }
0xb2: {  	[tilespmem:$0x14220] =	vst v4  }
0xb3: {  	v4 =	vld [tilespmem:s26+$0x7130];
	_ =	sdelay $0x4  }
0xb4: {  	s20 =	sshll.u32 s3, $0x2;
	[tilespmem:$0x14230] =	vst v4  }
0xb5: {  	[spmem:s2] =	stream.indirect.scatter.add.f32 [tilespmem:s17], [sflag:$0x5], $0x80, s29, s19, $0xb8;
	[tilespmem:$0x1EA80] =	vst v63  }
0xb6: {  	p0 =	sle.s32 s20, $0x4;
	_ =	swait.ge [sflag:s15], $0x2000  }
0xb7: {  	s9 =	simm.s32 @!p0 $0xC200;
	[sflag:s15] =	ssyncset.done $0x0  }
0xb8: {  	s21 =	simm.s32 @!p0 $0x2100;
	s23 =	simm.s32 @!p0 $0x40;
	[sflag:s15] =	ssyncadd.s32 $0xFFFFE000  }
0xb9: {  	[tilespmem:s9], [sflag:$0x1] =	stream.indirect.gather @!p0 [hbm4b:s1+s23], $0x80, s21, s23, $0xb8;
	[tilespmem:$0x1EA80] =	vst v63  }
0xba: {  	_ =	swait.ge [sflag:s30], $0x2000  }
0xbb: {  	[sflag:s30] =	ssyncset.done $0x0  }
0xbc: {  	[sflag:s30] =	ssyncadd.s32 $0xFFFFE000  }
0xbd: {  	v4 =	vld [tilespmem:s26+$0x7140];
	_ =	sdelay $0x4  }
0xbe: {  	[tilespmem:$0x14200] =	vst v4  }
0xbf: {  	v4 =	vld [tilespmem:s26+$0x7150];
	_ =	sdelay $0x4  }
0xc0: {  	[tilespmem:$0x14210] =	vst v4  }
0xc1: {  	v4 =	vld [tilespmem:s26+$0x7160];
	_ =	sdelay $0x4  }
0xc2: {  	[tilespmem:$0x14220] =	vst v4  }
0xc3: {  	v4 =	vld [tilespmem:s26+$0x7170];
	_ =	sdelay $0x4  }
0xc4: {  	[tilespmem:$0x14230] =	vst v4  }
0xc5: {  	[spmem:s2] =	stream.indirect.scatter.add.f32 [tilespmem:s22], [sflag:$0x5], $0x80, s29, s19, $0xb8;
	[tilespmem:$0x1EA80] =	vst v63  }
0xc6: {  	p0 =	sle.s32 s20, $0x5;
	_ =	swait.ge [sflag:s15], $0x2000  }
0xc7: {  	s9 =	simm.s32 @!p0 $0xE200;
	[sflag:s15] =	ssyncset.done $0x0  }
0xc8: {  	s21 =	simm.s32 @!p0 $0x2140;
	s23 =	simm.s32 @!p0 $0x40;
	[sflag:s15] =	ssyncadd.s32 $0xFFFFE000  }
0xc9: {  	[tilespmem:s9], [sflag:$0x2] =	stream.indirect.gather @!p0 [hbm4b:s1+s23], $0x80, s21, s23, $0xb8;
	[tilespmem:$0x1EA80] =	vst v63  }
0xca: {  	_ =	swait.ge [sflag:s31], $0x2000  }
0xcb: {  	[sflag:s31] =	ssyncset.done $0x0  }
0xcc: {  	[sflag:s31] =	ssyncadd.s32 $0xFFFFE000  }
0xcd: {  	v4 =	vld [tilespmem:s26+$0x7180];
	_ =	sdelay $0x4  }
0xce: {  	[tilespmem:$0x14200] =	vst v4  }
0xcf: {  	v4 =	vld [tilespmem:s26+$0x7190];
	_ =	sdelay $0x4  }
0xd0: {  	[tilespmem:$0x14210] =	vst v4  }
0xd1: {  	v4 =	vld [tilespmem:s26+$0x71A0];
	_ =	sdelay $0x4  }
0xd2: {  	[tilespmem:$0x14220] =	vst v4  }
0xd3: {  	v4 =	vld [tilespmem:s26+$0x71B0];
	_ =	sdelay $0x4  }
0xd4: {  	[tilespmem:$0x14230] =	vst v4  }
0xd5: {  	[spmem:s2] =	stream.indirect.scatter.add.f32 [tilespmem:s25], [sflag:$0x5], $0x80, s29, s19, $0xb8;
	[tilespmem:$0x1EA80] =	vst v63  }
0xd6: {  	p0 =	sle.s32 s20, $0x6;
	_ =	swait.ge [sflag:s15], $0x2000  }
0xd7: {  	s9 =	simm.s32 @!p0 $0x10200;
	[sflag:s15] =	ssyncset.done $0x0  }
0xd8: {  	s21 =	simm.s32 @!p0 $0x2180;
	s23 =	simm.s32 @!p0 $0x40;
	[sflag:s15] =	ssyncadd.s32 $0xFFFFE000  }
0xd9: {  	[tilespmem:s9], [sflag:$0x3] =	stream.indirect.gather @!p0 [hbm4b:s1+s23], $0x80, s21, s23, $0xb8;
	[tilespmem:$0x1EA80] =	vst v63  }
0xda: {  	_ =	swait.ge [sflag:s0], $0x2000  }
0xdb: {  	[sflag:s0] =	ssyncset.done $0x0  }
0xdc: {  	[sflag:s0] =	ssyncadd.s32 $0xFFFFE000  }
0xdd: {  	v4 =	vld [tilespmem:s26+$0x71C0];
	_ =	sdelay $0x4  }
0xde: {  	[tilespmem:$0x14200] =	vst v4  }
0xdf: {  	v4 =	vld [tilespmem:s26+$0x71D0];
	_ =	sdelay $0x4  }
0xe0: {  	[tilespmem:$0x14210] =	vst v4  }
0xe1: {  	v4 =	vld [tilespmem:s26+$0x71E0];
	_ =	sdelay $0x4  }
0xe2: {  	[tilespmem:$0x14220] =	vst v4  }
0xe3: {  	v4 =	vld [tilespmem:s26+$0x71F0];
	_ =	sdelay $0x2  }
0xe4: {  	s21 =	sadd.s32 $0xFFFFFFFF, s3  }
0xe5: {  	p0 =	sne.s32 s21, $0x0  }
.Ltmp6:
0xe6: {  	p1 =	sle.s32 s20, $0x7;
	[tilespmem:$0x14230] =	vst v4;
	(pc) =	sbr.rel @!p0 .LBB2_10-.Ltmp6, $4  }
0xe7: {  	[spmem:s2] =	stream.indirect.scatter.add.f32 [tilespmem:s28], [sflag:$0x5], $0x80, s29, s19, $0xb8;
	[tilespmem:$0x1EA80] =	vst v63  }
0xe8: {  	s8 =	simm.s32 @!p1 $0x21C0;
	_ =	swait.ge [sflag:s15], $0x2000  }
0xe9: {  	s23 =	simm.s32 $0x8;
	s3 =	simm.s32 @!p1 $0x12200;
	[sflag:s15] =	ssyncset.done $0x0  }
0xea: {  	s9 =	simm.s32 @!p1 $0x40;
	s26 =	simm.s32 $0x400;
	[sflag:s15] =	ssyncadd.s32 $0xFFFFE000  }
.LBB2_9:
0xeb: {  	[tilespmem:s3], [sflag:$0x4] =	stream.indirect.gather @!p1 [hbm4b:s1+s9], $0x80, s8, s9, $0xb8;
	[tilespmem:$0x1EA80] =	vst v63  }
0xec: {  	s21 =	sadd.s32 $0xFFFFFFFF, s21;
	s3 =	smov.u32 s26;
	_ =	swait.ge [sflag:s18], $0x2000  }
0xed: {  	p0 =	sne.s32 s21, $0x0;
	[sflag:s18] =	ssyncset.done $0x0  }
0xee: {  	s8 =	sshra.s32 s26, $0x2;
	[sflag:s18] =	ssyncadd.s32 $0xFFFFE000  }
0xef: {  	v4 =	vld [tilespmem:s8+$0x7100];
	_ =	sdelay $0x4  }
0xf0: {  	[tilespmem:$0x14200] =	vst v4  }
0xf1: {  	v4 =	vld [tilespmem:s8+$0x7110];
	_ =	sdelay $0x4  }
0xf2: {  	[tilespmem:$0x14210] =	vst v4  }
0xf3: {  	v4 =	vld [tilespmem:s8+$0x7120];
	_ =	sdelay $0x4  }
0xf4: {  	[tilespmem:$0x14220] =	vst v4  }
0xf5: {  	v4 =	vld [tilespmem:s8+$0x7130];
	_ =	sdelay $0x4  }
0xf6: {  	[tilespmem:$0x14230] =	vst v4  }
0xf7: {  	[spmem:s2] =	stream.indirect.scatter.add.f32 [tilespmem:s17], [sflag:$0x5], $0x80, s29, s19, $0xb8;
	[tilespmem:$0x1EA80] =	vst v63  }
0xf8: {  	p1 =	sge.s32 s23, s20;
	_ =	swait.ge [sflag:s15], $0x2000  }
0xf9: {  	s9 =	sshra.s32 @!p1 s26, $0x2;
	s10 =	simm.s32 @!p1 $0xC200;
	[sflag:s15] =	ssyncset.done $0x0  }
0xfa: {  	s11 =	simm.s32 @!p1 $0x40;
	s9 =	sadd.s32 @!p1 $0x2100, s9;
	[sflag:s15] =	ssyncadd.s32 $0xFFFFE000  }
0xfb: {  	[tilespmem:s10], [sflag:$0x1] =	stream.indirect.gather @!p1 [hbm4b:s1+s11], $0x80, s9, s11, $0xb8;
	[tilespmem:$0x1EA80] =	vst v63  }
0xfc: {  	_ =	swait.ge [sflag:s30], $0x2000  }
0xfd: {  	[sflag:s30] =	ssyncset.done $0x0  }
0xfe: {  	[sflag:s30] =	ssyncadd.s32 $0xFFFFE000  }
0xff: {  	v4 =	vld [tilespmem:s8+$0x7140];
	_ =	sdelay $0x4  }
0x100: {  	[tilespmem:$0x14200] =	vst v4  }
0x101: {  	v4 =	vld [tilespmem:s8+$0x7150];
	_ =	sdelay $0x4  }
0x102: {  	[tilespmem:$0x14210] =	vst v4  }
0x103: {  	v4 =	vld [tilespmem:s8+$0x7160];
	_ =	sdelay $0x4  }
0x104: {  	[tilespmem:$0x14220] =	vst v4  }
0x105: {  	v4 =	vld [tilespmem:s8+$0x7170];
	_ =	sdelay $0x4  }
0x106: {  	s9 =	sadd.s32 $0x1, s23;
	[tilespmem:$0x14230] =	vst v4  }
0x107: {  	[spmem:s2] =	stream.indirect.scatter.add.f32 [tilespmem:s22], [sflag:$0x5], $0x80, s29, s19, $0xb8;
	[tilespmem:$0x1EA80] =	vst v63  }
0x108: {  	p1 =	sge.s32 s9, s20;
	_ =	swait.ge [sflag:s15], $0x2000  }
0x109: {  	s9 =	sshra.s32 @!p1 s26, $0x2;
	s10 =	simm.s32 @!p1 $0xE200;
	[sflag:s15] =	ssyncset.done $0x0  }
0x10a: {  	s11 =	simm.s32 @!p1 $0x40;
	s9 =	sadd.s32 @!p1 $0x2140, s9;
	[sflag:s15] =	ssyncadd.s32 $0xFFFFE000  }
0x10b: {  	[tilespmem:s10], [sflag:$0x2] =	stream.indirect.gather @!p1 [hbm4b:s1+s11], $0x80, s9, s11, $0xb8;
	[tilespmem:$0x1EA80] =	vst v63  }
0x10c: {  	_ =	swait.ge [sflag:s31], $0x2000  }
0x10d: {  	[sflag:s31] =	ssyncset.done $0x0  }
0x10e: {  	[sflag:s31] =	ssyncadd.s32 $0xFFFFE000  }
0x10f: {  	v4 =	vld [tilespmem:s8+$0x7180];
	_ =	sdelay $0x4  }
0x110: {  	[tilespmem:$0x14200] =	vst v4  }
0x111: {  	v4 =	vld [tilespmem:s8+$0x7190];
	_ =	sdelay $0x4  }
0x112: {  	[tilespmem:$0x14210] =	vst v4  }
0x113: {  	v4 =	vld [tilespmem:s8+$0x71A0];
	_ =	sdelay $0x4  }
0x114: {  	[tilespmem:$0x14220] =	vst v4  }
0x115: {  	v4 =	vld [tilespmem:s8+$0x71B0];
	_ =	sdelay $0x4  }
0x116: {  	s9 =	sadd.s32 $0x2, s23;
	[tilespmem:$0x14230] =	vst v4  }
0x117: {  	[spmem:s2] =	stream.indirect.scatter.add.f32 [tilespmem:s25], [sflag:$0x5], $0x80, s29, s19, $0xb8;
	[tilespmem:$0x1EA80] =	vst v63  }
0x118: {  	p1 =	sge.s32 s9, s20;
	_ =	swait.ge [sflag:s15], $0x2000  }
0x119: {  	s9 =	sshra.s32 @!p1 s26, $0x2;
	s10 =	simm.s32 @!p1 $0x10200;
	[sflag:s15] =	ssyncset.done $0x0  }
0x11a: {  	s11 =	simm.s32 @!p1 $0x40;
	s9 =	sadd.s32 @!p1 $0x2180, s9;
	[sflag:s15] =	ssyncadd.s32 $0xFFFFE000  }
0x11b: {  	[tilespmem:s10], [sflag:$0x3] =	stream.indirect.gather @!p1 [hbm4b:s1+s11], $0x80, s9, s11, $0xb8;
	[tilespmem:$0x1EA80] =	vst v63  }
0x11c: {  	_ =	swait.ge [sflag:s0], $0x2000  }
0x11d: {  	[sflag:s0] =	ssyncset.done $0x0  }
0x11e: {  	[sflag:s0] =	ssyncadd.s32 $0xFFFFE000  }
0x11f: {  	v4 =	vld [tilespmem:s8+$0x71C0];
	_ =	sdelay $0x4  }
0x120: {  	[tilespmem:$0x14200] =	vst v4  }
0x121: {  	v4 =	vld [tilespmem:s8+$0x71D0];
	_ =	sdelay $0x4  }
0x122: {  	[tilespmem:$0x14210] =	vst v4  }
0x123: {  	v4 =	vld [tilespmem:s8+$0x71E0];
	_ =	sdelay $0x4  }
0x124: {  	[tilespmem:$0x14220] =	vst v4  }
0x125: {  	v4 =	vld [tilespmem:s8+$0x71F0];
	_ =	sdelay $0x4  }
.Ltmp7:
0x126: {  	s8 =	sadd.s32 $0x3, s23;
	s23 =	sadd.s32 $0x4, s23;
	[tilespmem:$0x14230] =	vst v4;
	(pc) =	sbr.rel @p0 .LBB2_9-.Ltmp7, $4  }
0x127: {  	[spmem:s2] =	stream.indirect.scatter.add.f32 [tilespmem:s28], [sflag:$0x5], $0x80, s29, s19, $0xb8;
	[tilespmem:$0x1EA80] =	vst v63  }
0x128: {  	s26 =	sadd.s32 $0x400, s26;
	p1 =	sge.s32 s8, s20;
	_ =	swait.ge [sflag:s15], $0x2000  }
0x129: {  	s8 =	sshra.s32 @!p1 s3, $0x2;
	s3 =	simm.s32 @!p1 $0x12200;
	[sflag:s15] =	ssyncset.done $0x0  }
0x12a: {  	s9 =	simm.s32 @!p1 $0x40;
	s8 =	sadd.s32 @!p1 $0x21C0, s8;
	[sflag:s15] =	ssyncadd.s32 $0xFFFFE000  }
.Ltmp8:
0x12b: {  	_ = 	snop;
	(pc) =	sbr.rel .LBB2_10-.Ltmp8, $1  }
0x12c: {  	_ =	sdelay $0x3  }
.LBB2_12:
0x12d: {  	_ =	sfence.sel $0x180000  }
0x12e: {  	[bflag:$0x0] =	sbarrier.arrive $0xFFFF  }
0x12f: {  	_ =	strace $0x90000047  }
0x130: {  	s0 =	stileid.u32;
	[bflag:$0x2] =	sbarrier.arrive $0xFFFF  }
0x131: {  	p0 =	sne.s32 s0, $0x0;
	s0 =	rddreg [dreg:$0x4]  }
0x132: {  	s0 =	sadd.s32 @!p0 $0x100000, s0  }
0x133: {  	[sflag:s0] =	ssyncadd.tile.s32 @!p0 $0x1;
	_ =	shalt  }
.Lfunc_end2:
_tile_overlayer_lowered:
.L_overlay_start_2:
0x134: {  	(tag) =	ssettag $0x2  }
0x135: {  	s0 =	rddreg [dreg:$0x0];
	s2 =	stileid.u32  }
0x136: {  	s1 =	rddreg [dreg:$0x1];
	p0 =	sne.s32 s2, $0x0  }
0x137: {  	s3 =	rddreg [dreg:$0x2];
	[bflag:$0x3] =	sbarrier.arrive $0xFFFF;
	s2 =	simm.s32 @!p0 $0x1C05  }
0x138: {  	[timem:s3], [sflag:s2] =	dma.local @!p0 [hbm:s0], s1  }
0x139: {  	s0 =	simm.s32 @!p0 $0x5  }
0x13a: {  	_ =	swait.ge @!p0 [sflag:s0], s1  }
0x13b: {  	s1 =	ssub.s32 @!p0 $0x0, s1;
	[sflag:s0] =	ssyncset.done @!p0 $0x0  }
0x13c: {  	[sflag:s0] =	ssyncadd.s32 @!p0 s1  }
0x13d: {  	[bflag:$0x3] =	sbarrier.arrive $0xFFFF  }
0x13e: {  	_ =	shalt  }

</sc_bundles>
